<compile_context>
chip_gen: v7x
topology: tpu7x:2x2x1
jax: 0.10.2.dev20260603
libtpu: 0.0.44.dev20260713+nightly
codegen_flags: <defaults>
</compile_context>

<pallas_src>
import functools

import jax
import jax.numpy as jnp
from jax import lax
from jax.experimental import pallas as pl
from jax.experimental.pallas import tpu as pltpu
from jax.experimental.pallas import tpu_sc as plsc

IN_CH = 128
HID = 128
NUM_REL = 8

_NC = 2
_NS = 16
_NW = _NC * _NS
_CHUNK = 128
_CHUNKS_PER_W = 13
_ROWS_PER_W = _CHUNK * _CHUNKS_PER_W
_E_PAD = _NW * _ROWS_PER_W
_NBUF = 4

_TILE = 5000
_E_OUT = 50000
_N_TILES = _E_OUT // _TILE


def _sc_gather(x, idx3):
    mesh = plsc.VectorSubcoreMesh(core_axis_name="c", subcore_axis_name="s")

    @functools.partial(
        pl.kernel,
        mesh=mesh,
        out_type=jax.ShapeDtypeStruct((_E_PAD, IN_CH), jnp.float32),
        scratch_types=(
            [pltpu.VMEM((_CHUNKS_PER_W, _CHUNK), jnp.int32)]
            + [pltpu.VMEM((_CHUNK, IN_CH), jnp.float32)] * _NBUF
            + [pltpu.SemaphoreType.DMA] * _NBUF
        ),
    )
    def k(x_hbm, idx_hbm, out_hbm, idx_v, *bufs_sems):
        bufs = bufs_sems[:_NBUF]
        sems = bufs_sems[_NBUF:]
        wid = lax.axis_index("s") * _NC + lax.axis_index("c")
        pltpu.sync_copy(idx_hbm.at[wid], idx_v)
        base = wid * _ROWS_PER_W
        pend = [None] * _NBUF
        for c in range(min(_NBUF, _CHUNKS_PER_W)):
            pend[c] = pltpu.async_copy(x_hbm.at[idx_v.at[c]], bufs[c], sems[c])
        for c in range(_CHUNKS_PER_W):
            s = c % _NBUF
            pend[s].wait()
            pltpu.sync_copy(bufs[s],
                            out_hbm.at[pl.ds(base + c * _CHUNK, _CHUNK)])
            nxt = c + _NBUF
            if nxt < _CHUNKS_PER_W:
                pend[s] = pltpu.async_copy(
                    x_hbm.at[idx_v.at[nxt]], bufs[s], sems[s])

    return k(x, idx3)


def _tc_rgcn(xg, oh, wcat):

    def body(xg_ref, oh_ref, w_ref, out_ref, his_ref):
        xv = xg_ref[...].astype(jnp.bfloat16)
        y = jnp.dot(xv, w_ref[...],
                    preferred_element_type=jnp.float32).astype(jnp.bfloat16)
        ohv = oh_ref[...]
        acc = y[:, :HID] * ohv[:, 0:1]
        for r in range(1, NUM_REL):
            acc = acc + y[:, r * HID:(r + 1) * HID] * ohv[:, r:r + 1]
        accf = acc.astype(jnp.float32)
        out_ref[...] = accf
        his_ref[...] = accf

    return pl.pallas_call(
        body,
        grid=(_N_TILES,),
        in_specs=[
            pl.BlockSpec((_TILE, IN_CH), lambda i: (i, 0)),
            pl.BlockSpec((_TILE, NUM_REL), lambda i: (i, 0)),
            pl.BlockSpec((IN_CH, NUM_REL * HID), lambda i: (0, 0)),
        ],
        out_specs=[
            pl.BlockSpec((_TILE, HID), lambda i: (i, 0)),
            pl.BlockSpec((_TILE, HID), lambda i: (i, 0)),
        ],
        out_shape=[
            jax.ShapeDtypeStruct((_E_OUT, HID), jnp.float32),
            jax.ShapeDtypeStruct((_E_OUT, HID), jnp.float32),
        ],
    )(xg, oh, wcat)


def kernel(x, ptr, idx, edge_types, count, history_map, history_buffer,
           used_mask, history_size, num_node, linear):
    e = idx.shape[0]
    idx_pad = jnp.zeros((_E_PAD,), jnp.int32).at[:e].set(idx.astype(jnp.int32))
    idx3 = idx_pad.reshape(_NW, _CHUNKS_PER_W, _CHUNK)
    xg = _sc_gather(x, idx3)
    oh = (edge_types.astype(jnp.int32)[:, None]
          == jnp.arange(NUM_REL, dtype=jnp.int32)[None, :]).astype(jnp.bfloat16)
    wcat = jnp.transpose(linear, (1, 0, 2)).reshape(
        IN_CH, NUM_REL * HID).astype(jnp.bfloat16)
    out, his = _tc_rgcn(xg, oh, wcat)
    return (out, his)

# --- scband reference (transcript-rebuilt; emitter-appended) ---
"""Pipeline reference for scband-my-rgcnconv-history-83932250898805 (READ-ONLY COPY).

The authoritative reference and input builder live on the scoring server;
editing this copy changes nothing except your own understanding.
"""

import jax, jax.numpy as jnp
import numpy as np

NUM_NODE = 50000
E = 50000
IN_CH = 128
HID = 128
NUM_REL = 8


def setup_inputs(seed: int = 0) -> dict:
    key = jax.random.key(seed)
    ks = jax.random.split(key, 8)
    x = jax.random.normal(ks[0], (NUM_NODE, IN_CH), dtype=jnp.float32)
    ptr = jnp.arange(NUM_NODE + 1)  # valid CSR, degree 1 per node
    idx = jax.random.randint(ks[1], (E,), 0, NUM_NODE)
    edge_types = jax.random.randint(ks[2], (E,), 0, NUM_REL)
    count = jax.random.randint(ks[3], (NUM_NODE,), 0, 64)
    history_map = jax.random.randint(ks[4], (NUM_NODE,), 0, NUM_NODE)
    history_buffer = jax.random.normal(ks[5], (NUM_NODE, HID), dtype=jnp.float32)
    used_mask = jnp.ones((NUM_NODE,), dtype=bool)
    # glorot-initialized relation weight, shape [num_rel, in_channels, hidden_channels]
    scale = float(np.sqrt(6.0 / (IN_CH + HID)))
    linear = jax.random.uniform(ks[6], (NUM_REL, IN_CH, HID), dtype=jnp.float32, minval=-scale, maxval=scale)
    return {
        "x": x,
        "ptr": ptr,
        "idx": idx,
        "edge_types": edge_types,
        "count": count,
        "history_map": history_map,
        "history_buffer": history_buffer,
        "used_mask": used_mask,
        "history_size": 0,
        "num_node": NUM_NODE,
        "linear": linear,
    }


def _rgcn_op(x, linear, ptr, idx, edge_types, num_node):
    # per-relation transform of all nodes: tmp[r, n, h] = sum_i x[n, i] * W[r, i, h]
    tmp = jnp.einsum('ni,rio->rno', x, linear)
    # per-edge message: apply the edge's relation transform to the source node
    msg = tmp[edge_types, idx]  # [E, hidden]
    # dst node of each edge from CSR ptr
    e_ids = jnp.arange(idx.shape[0])
    dst = jnp.searchsorted(ptr, e_ids, side='right') - 1
    out = jax.ops.segment_sum(msg, dst, num_segments=x.shape[0])
    out = out + (0 * jnp.asarray(num_node)).astype(out.dtype)
    return out


def reference(x, ptr, idx, edge_types, count, history_map, history_buffer, used_mask, history_size, num_node, linear):
    out = _rgcn_op(x, linear, ptr, idx, edge_types, num_node)
    deg = (ptr[1:] - ptr[:-1]).astype(x.dtype)
    out = out / deg[: out.shape[0], None]
    mask = (history_size > 0) & (history_map != -1)
    out = jnp.where(mask[:, None], history_buffer, out)
    his = out
    return (out, his)

if __name__ == "__main__":
    import jax
    _d = setup_inputs()
    print(jax.jit(kernel)(*tuple(_d.values())))

</pallas_src>

<mosaic_0001>
#map = affine_map<(d0, d1) -> (0, 0)>
#map1 = affine_map<(d0, d1) -> (0, 0, 0)>
module attributes {stable_mosaic.version = 14 : i64} {
  func.func @k(%arg0: i32, %arg1: i32, %arg2: memref<50000x128xf32, #tpu.memory_space<hbm>>, %arg3: memref<32x13x128xi32, #tpu.memory_space<hbm>>, %arg4: memref<53248x128xf32, #tpu.memory_space<hbm>>, %arg5: memref<13x128xi32, #tpu.memory_space<vmem>>, %arg6: memref<128x128xf32, #tpu.memory_space<vmem>>, %arg7: memref<128x128xf32, #tpu.memory_space<vmem>>, %arg8: memref<128x128xf32, #tpu.memory_space<vmem>>, %arg9: memref<128x128xf32, #tpu.memory_space<vmem>>, %arg10: memref<!tpu.dma_semaphore, #tpu.memory_space<semaphore_mem>>, %arg11: memref<!tpu.dma_semaphore, #tpu.memory_space<semaphore_mem>>, %arg12: memref<!tpu.dma_semaphore, #tpu.memory_space<semaphore_mem>>, %arg13: memref<!tpu.dma_semaphore, #tpu.memory_space<semaphore_mem>>) attributes {dimension_semantics = [#tpu.dimension_semantics<core_parallel>, #tpu.dimension_semantics<subcore_parallel>], iteration_bounds = array<i64: 2, 16>, scalar_prefetch = 0 : i64, scratch_operands = 9 : i64, tpu.core_type = #tpu.core_type<sc_vector_subcore>, window_params = [{transform_indices = #map}, {transform_indices = #map1}, {transform_indices = #map}]} {
    %mul3A = arith.constant 2 : i32
    %mul3A_0 = arith.muli %arg1, %mul3A : i32
    %add3A = arith.addi %mul3A_0, %arg0 : i32
    "tpu.region"() ({
      %run_scoped3A = tpu.sem_alloc : memref<!tpu.dma_semaphore, #tpu.memory_space<semaphore_mem>>
      %dma_start3A_209 = arith.constant 0 : i32
      %dma_start3A_210 = arith.constant 0 : i32
      %dma_start3A_211 = tpu.memref_slice %arg3[%add3A, %dma_start3A_209, %dma_start3A_210] : memref<32x13x128xi32, #tpu.memory_space<hbm>> -> memref<1x13x128xi32, #tpu.memory_space<hbm>>
      %dma_start3A_212 = tpu.memref_squeeze %dma_start3A_211 : memref<1x13x128xi32, #tpu.memory_space<hbm>> -> memref<13x128xi32, #tpu.memory_space<hbm>>
      %dma_start3A_213 = arith.constant 0 : i32
      %dma_start3A_214 = arith.constant 0 : i32
      %dma_start3A_215 = tpu.memref_slice %arg3[%add3A, %dma_start3A_213, %dma_start3A_214] : memref<32x13x128xi32, #tpu.memory_space<hbm>> -> memref<1x13x128xi32, #tpu.memory_space<hbm>>
      %dma_start3A_216 = tpu.memref_squeeze %dma_start3A_215 : memref<1x13x128xi32, #tpu.memory_space<hbm>> -> memref<13x128xi32, #tpu.memory_space<hbm>>
      tpu.enqueue_dma source(%dma_start3A_216 : memref<13x128xi32, #tpu.memory_space<hbm>>) target(%arg5 : memref<13x128xi32, #tpu.memory_space<vmem>>) target_semaphore(%run_scoped3A : memref<!tpu.dma_semaphore, #tpu.memory_space<semaphore_mem>>)
      %dma_wait3A_217 = arith.constant 0 : i32
      %dma_wait3A_218 = arith.constant 0 : i32
      %dma_wait3A_219 = tpu.memref_slice %arg3[%add3A, %dma_wait3A_217, %dma_wait3A_218] : memref<32x13x128xi32, #tpu.memory_space<hbm>> -> memref<1x13x128xi32, #tpu.memory_space<hbm>>
      %dma_wait3A_220 = tpu.memref_squeeze %dma_wait3A_219 : memref<1x13x128xi32, #tpu.memory_space<hbm>> -> memref<13x128xi32, #tpu.memory_space<hbm>>
      %dma_wait3A_221 = arith.constant 0 : i32
      %dma_wait3A_222 = arith.constant 0 : i32
      %dma_wait3A_223 = tpu.memref_slice %arg3[%add3A, %dma_wait3A_221, %dma_wait3A_222] : memref<32x13x128xi32, #tpu.memory_space<hbm>> -> memref<1x13x128xi32, #tpu.memory_space<hbm>>
      %dma_wait3A_224 = tpu.memref_squeeze %dma_wait3A_223 : memref<1x13x128xi32, #tpu.memory_space<hbm>> -> memref<13x128xi32, #tpu.memory_space<hbm>>
      tpu.wait_dma2 semaphore(%run_scoped3A : memref<!tpu.dma_semaphore, #tpu.memory_space<semaphore_mem>>) src(%dma_wait3A_224 : memref<13x128xi32, #tpu.memory_space<hbm>>) dst(%arg5 : memref<13x128xi32, #tpu.memory_space<vmem>>)
      tpu.yield
    }) : () -> ()
    %mul3A_1 = arith.constant 1664 : i32
    %mul3A_2 = arith.muli %add3A, %mul3A_1 : i32
    %dma_start3A = arith.constant 0 : i32
    %dma_start3A_3 = arith.constant 0 : i32
    %dma_start3A_4 = tpu.memref_slice %arg5[%dma_start3A, %dma_start3A_3] : memref<13x128xi32, #tpu.memory_space<vmem>> -> memref<1x128xi32, #tpu.memory_space<vmem>>
    %dma_start3A_5 = tpu.memref_squeeze %dma_start3A_4 : memref<1x128xi32, #tpu.memory_space<vmem>> -> memref<128xi32, #tpu.memory_space<vmem>>
    %dma_start3A_6 = arith.constant 0 : i32
    %dma_start3A_7 = arith.constant 0 : i32
    %dma_start3A_8 = tpu.memref_slice %arg2[%dma_start3A_6, %dma_start3A_7] : memref<50000x128xf32, #tpu.memory_space<hbm>> -> memref<50000x128xf32, #tpu.memory_space<hbm>>
    tpu.enqueue_indirect_dma source(%dma_start3A_8 : memref<50000x128xf32, #tpu.memory_space<hbm>>) target(%arg6 : memref<128x128xf32, #tpu.memory_space<vmem>>) offsets(%dma_start3A_5 : memref<128xi32, #tpu.memory_space<vmem>>) semaphore(%arg10 : memref<!tpu.dma_semaphore, #tpu.memory_space<semaphore_mem>>)
    %dma_start3A_9 = arith.constant 1 : i32
    %dma_start3A_10 = arith.constant 0 : i32
    %dma_start3A_11 = tpu.memref_slice %arg5[%dma_start3A_9, %dma_start3A_10] : memref<13x128xi32, #tpu.memory_space<vmem>> -> memref<1x128xi32, #tpu.memory_space<vmem>>
    %dma_start3A_12 = tpu.memref_squeeze %dma_start3A_11 : memref<1x128xi32, #tpu.memory_space<vmem>> -> memref<128xi32, #tpu.memory_space<vmem>>
    %dma_start3A_13 = arith.constant 0 : i32
    %dma_start3A_14 = arith.constant 0 : i32
    %dma_start3A_15 = tpu.memref_slice %arg2[%dma_start3A_13, %dma_start3A_14] : memref<50000x128xf32, #tpu.memory_space<hbm>> -> memref<50000x128xf32, #tpu.memory_space<hbm>>
    tpu.enqueue_indirect_dma source(%dma_start3A_15 : memref<50000x128xf32, #tpu.memory_space<hbm>>) target(%arg7 : memref<128x128xf32, #tpu.memory_space<vmem>>) offsets(%dma_start3A_12 : memref<128xi32, #tpu.memory_space<vmem>>) semaphore(%arg11 : memref<!tpu.dma_semaphore, #tpu.memory_space<semaphore_mem>>)
    %dma_start3A_16 = arith.constant 2 : i32
    %dma_start3A_17 = arith.constant 0 : i32
    %dma_start3A_18 = tpu.memref_slice %arg5[%dma_start3A_16, %dma_start3A_17] : memref<13x128xi32, #tpu.memory_space<vmem>> -> memref<1x128xi32, #tpu.memory_space<vmem>>
    %dma_start3A_19 = tpu.memref_squeeze %dma_start3A_18 : memref<1x128xi32, #tpu.memory_space<vmem>> -> memref<128xi32, #tpu.memory_space<vmem>>
    %dma_start3A_20 = arith.constant 0 : i32
    %dma_start3A_21 = arith.constant 0 : i32
    %dma_start3A_22 = tpu.memref_slice %arg2[%dma_start3A_20, %dma_start3A_21] : memref<50000x128xf32, #tpu.memory_space<hbm>> -> memref<50000x128xf32, #tpu.memory_space<hbm>>
    tpu.enqueue_indirect_dma source(%dma_start3A_22 : memref<50000x128xf32, #tpu.memory_space<hbm>>) target(%arg8 : memref<128x128xf32, #tpu.memory_space<vmem>>) offsets(%dma_start3A_19 : memref<128xi32, #tpu.memory_space<vmem>>) semaphore(%arg12 : memref<!tpu.dma_semaphore, #tpu.memory_space<semaphore_mem>>)
    %dma_start3A_23 = arith.constant 3 : i32
    %dma_start3A_24 = arith.constant 0 : i32
    %dma_start3A_25 = tpu.memref_slice %arg5[%dma_start3A_23, %dma_start3A_24] : memref<13x128xi32, #tpu.memory_space<vmem>> -> memref<1x128xi32, #tpu.memory_space<vmem>>
    %dma_start3A_26 = tpu.memref_squeeze %dma_start3A_25 : memref<1x128xi32, #tpu.memory_space<vmem>> -> memref<128xi32, #tpu.memory_space<vmem>>
    %dma_start3A_27 = arith.constant 0 : i32
    %dma_start3A_28 = arith.constant 0 : i32
    %dma_start3A_29 = tpu.memref_slice %arg2[%dma_start3A_27, %dma_start3A_28] : memref<50000x128xf32, #tpu.memory_space<hbm>> -> memref<50000x128xf32, #tpu.memory_space<hbm>>
    tpu.enqueue_indirect_dma source(%dma_start3A_29 : memref<50000x128xf32, #tpu.memory_space<hbm>>) target(%arg9 : memref<128x128xf32, #tpu.memory_space<vmem>>) offsets(%dma_start3A_26 : memref<128xi32, #tpu.memory_space<vmem>>) semaphore(%arg13 : memref<!tpu.dma_semaphore, #tpu.memory_space<semaphore_mem>>)
    %dma_wait3A = arith.constant 0 : i32
    %dma_wait3A_30 = arith.constant 0 : i32
    %dma_wait3A_31 = tpu.memref_slice %arg5[%dma_wait3A, %dma_wait3A_30] : memref<13x128xi32, #tpu.memory_space<vmem>> -> memref<1x128xi32, #tpu.memory_space<vmem>>
    %dma_wait3A_32 = tpu.memref_squeeze %dma_wait3A_31 : memref<1x128xi32, #tpu.memory_space<vmem>> -> memref<128xi32, #tpu.memory_space<vmem>>
    %dma_wait3A_33 = arith.constant 0 : i32
    %dma_wait3A_34 = arith.constant 0 : i32
    %dma_wait3A_35 = tpu.memref_slice %arg2[%dma_wait3A_33, %dma_wait3A_34] : memref<50000x128xf32, #tpu.memory_space<hbm>> -> memref<50000x128xf32, #tpu.memory_space<hbm>>
    tpu.wait_indirect_dma semaphore(%arg10 : memref<!tpu.dma_semaphore, #tpu.memory_space<semaphore_mem>>) src(%dma_wait3A_35 : memref<50000x128xf32, #tpu.memory_space<hbm>>) dst(%arg6 : memref<128x128xf32, #tpu.memory_space<vmem>>)
    %add3A_36 = arith.constant 0 : i32
    %add3A_37 = arith.addi %mul3A_2, %add3A_36 : i32
    "tpu.region"() ({
      %run_scoped3A = tpu.sem_alloc : memref<!tpu.dma_semaphore, #tpu.memory_space<semaphore_mem>>
      %dma_start3A_209 = arith.constant 0 : i32
      %dma_start3A_210 = tpu.memref_slice %arg4[%add3A_37, %dma_start3A_209] : memref<53248x128xf32, #tpu.memory_space<hbm>> -> memref<128x128xf32, #tpu.memory_space<hbm>>
      %dma_start3A_211 = arith.constant 0 : i32
      %dma_start3A_212 = tpu.memref_slice %arg4[%add3A_37, %dma_start3A_211] : memref<53248x128xf32, #tpu.memory_space<hbm>> -> memref<128x128xf32, #tpu.memory_space<hbm>>
      tpu.enqueue_dma source(%arg6 : memref<128x128xf32, #tpu.memory_space<vmem>>) target(%dma_start3A_212 : memref<128x128xf32, #tpu.memory_space<hbm>>) target_semaphore(%run_scoped3A : memref<!tpu.dma_semaphore, #tpu.memory_space<semaphore_mem>>)
      %dma_wait3A_213 = arith.constant 0 : i32
      %dma_wait3A_214 = tpu.memref_slice %arg4[%add3A_37, %dma_wait3A_213] : memref<53248x128xf32, #tpu.memory_space<hbm>> -> memref<128x128xf32, #tpu.memory_space<hbm>>
      %dma_wait3A_215 = arith.constant 0 : i32
      %dma_wait3A_216 = tpu.memref_slice %arg4[%add3A_37, %dma_wait3A_215] : memref<53248x128xf32, #tpu.memory_space<hbm>> -> memref<128x128xf32, #tpu.memory_space<hbm>>
      tpu.wait_dma2 semaphore(%run_scoped3A : memref<!tpu.dma_semaphore, #tpu.memory_space<semaphore_mem>>) src(%arg6 : memref<128x128xf32, #tpu.memory_space<vmem>>) dst(%dma_wait3A_216 : memref<128x128xf32, #tpu.memory_space<hbm>>)
      tpu.yield
    }) : () -> ()
    %dma_start3A_38 = arith.constant 4 : i32
    %dma_start3A_39 = arith.constant 0 : i32
    %dma_start3A_40 = tpu.memref_slice %arg5[%dma_start3A_38, %dma_start3A_39] : memref<13x128xi32, #tpu.memory_space<vmem>> -> memref<1x128xi32, #tpu.memory_space<vmem>>
    %dma_start3A_41 = tpu.memref_squeeze %dma_start3A_40 : memref<1x128xi32, #tpu.memory_space<vmem>> -> memref<128xi32, #tpu.memory_space<vmem>>
    %dma_start3A_42 = arith.constant 0 : i32
    %dma_start3A_43 = arith.constant 0 : i32
    %dma_start3A_44 = tpu.memref_slice %arg2[%dma_start3A_42, %dma_start3A_43] : memref<50000x128xf32, #tpu.memory_space<hbm>> -> memref<50000x128xf32, #tpu.memory_space<hbm>>
    tpu.enqueue_indirect_dma source(%dma_start3A_44 : memref<50000x128xf32, #tpu.memory_space<hbm>>) target(%arg6 : memref<128x128xf32, #tpu.memory_space<vmem>>) offsets(%dma_start3A_41 : memref<128xi32, #tpu.memory_space<vmem>>) semaphore(%arg10 : memref<!tpu.dma_semaphore, #tpu.memory_space<semaphore_mem>>)
    %dma_wait3A_45 = arith.constant 1 : i32
    %dma_wait3A_46 = arith.constant 0 : i32
    %dma_wait3A_47 = tpu.memref_slice %arg5[%dma_wait3A_45, %dma_wait3A_46] : memref<13x128xi32, #tpu.memory_space<vmem>> -> memref<1x128xi32, #tpu.memory_space<vmem>>
    %dma_wait3A_48 = tpu.memref_squeeze %dma_wait3A_47 : memref<1x128xi32, #tpu.memory_space<vmem>> -> memref<128xi32, #tpu.memory_space<vmem>>
    %dma_wait3A_49 = arith.constant 0 : i32
    %dma_wait3A_50 = arith.constant 0 : i32
    %dma_wait3A_51 = tpu.memref_slice %arg2[%dma_wait3A_49, %dma_wait3A_50] : memref<50000x128xf32, #tpu.memory_space<hbm>> -> memref<50000x128xf32, #tpu.memory_space<hbm>>
    tpu.wait_indirect_dma semaphore(%arg11 : memref<!tpu.dma_semaphore, #tpu.memory_space<semaphore_mem>>) src(%dma_wait3A_51 : memref<50000x128xf32, #tpu.memory_space<hbm>>) dst(%arg7 : memref<128x128xf32, #tpu.memory_space<vmem>>)
    %add3A_52 = arith.constant 128 : i32
    %add3A_53 = arith.addi %mul3A_2, %add3A_52 : i32
    "tpu.region"() ({
      %run_scoped3A = tpu.sem_alloc : memref<!tpu.dma_semaphore, #tpu.memory_space<semaphore_mem>>
      %dma_start3A_209 = arith.constant 0 : i32
      %dma_start3A_210 = tpu.memref_slice %arg4[%add3A_53, %dma_start3A_209] : memref<53248x128xf32, #tpu.memory_space<hbm>> -> memref<128x128xf32, #tpu.memory_space<hbm>>
      %dma_start3A_211 = arith.constant 0 : i32
      %dma_start3A_212 = tpu.memref_slice %arg4[%add3A_53, %dma_start3A_211] : memref<53248x128xf32, #tpu.memory_space<hbm>> -> memref<128x128xf32, #tpu.memory_space<hbm>>
      tpu.enqueue_dma source(%arg7 : memref<128x128xf32, #tpu.memory_space<vmem>>) target(%dma_start3A_212 : memref<128x128xf32, #tpu.memory_space<hbm>>) target_semaphore(%run_scoped3A : memref<!tpu.dma_semaphore, #tpu.memory_space<semaphore_mem>>)
      %dma_wait3A_213 = arith.constant 0 : i32
      %dma_wait3A_214 = tpu.memref_slice %arg4[%add3A_53, %dma_wait3A_213] : memref<53248x128xf32, #tpu.memory_space<hbm>> -> memref<128x128xf32, #tpu.memory_space<hbm>>
      %dma_wait3A_215 = arith.constant 0 : i32
      %dma_wait3A_216 = tpu.memref_slice %arg4[%add3A_53, %dma_wait3A_215] : memref<53248x128xf32, #tpu.memory_space<hbm>> -> memref<128x128xf32, #tpu.memory_space<hbm>>
      tpu.wait_dma2 semaphore(%run_scoped3A : memref<!tpu.dma_semaphore, #tpu.memory_space<semaphore_mem>>) src(%arg7 : memref<128x128xf32, #tpu.memory_space<vmem>>) dst(%dma_wait3A_216 : memref<128x128xf32, #tpu.memory_space<hbm>>)
      tpu.yield
    }) : () -> ()
    %dma_start3A_54 = arith.constant 5 : i32
    %dma_start3A_55 = arith.constant 0 : i32
    %dma_start3A_56 = tpu.memref_slice %arg5[%dma_start3A_54, %dma_start3A_55] : memref<13x128xi32, #tpu.memory_space<vmem>> -> memref<1x128xi32, #tpu.memory_space<vmem>>
    %dma_start3A_57 = tpu.memref_squeeze %dma_start3A_56 : memref<1x128xi32, #tpu.memory_space<vmem>> -> memref<128xi32, #tpu.memory_space<vmem>>
    %dma_start3A_58 = arith.constant 0 : i32
    %dma_start3A_59 = arith.constant 0 : i32
    %dma_start3A_60 = tpu.memref_slice %arg2[%dma_start3A_58, %dma_start3A_59] : memref<50000x128xf32, #tpu.memory_space<hbm>> -> memref<50000x128xf32, #tpu.memory_space<hbm>>
    tpu.enqueue_indirect_dma source(%dma_start3A_60 : memref<50000x128xf32, #tpu.memory_space<hbm>>) target(%arg7 : memref<128x128xf32, #tpu.memory_space<vmem>>) offsets(%dma_start3A_57 : memref<128xi32, #tpu.memory_space<vmem>>) semaphore(%arg11 : memref<!tpu.dma_semaphore, #tpu.memory_space<semaphore_mem>>)
    %dma_wait3A_61 = arith.constant 2 : i32
    %dma_wait3A_62 = arith.constant 0 : i32
    %dma_wait3A_63 = tpu.memref_slice %arg5[%dma_wait3A_61, %dma_wait3A_62] : memref<13x128xi32, #tpu.memory_space<vmem>> -> memref<1x128xi32, #tpu.memory_space<vmem>>
    %dma_wait3A_64 = tpu.memref_squeeze %dma_wait3A_63 : memref<1x128xi32, #tpu.memory_space<vmem>> -> memref<128xi32, #tpu.memory_space<vmem>>
    %dma_wait3A_65 = arith.constant 0 : i32
    %dma_wait3A_66 = arith.constant 0 : i32
    %dma_wait3A_67 = tpu.memref_slice %arg2[%dma_wait3A_65, %dma_wait3A_66] : memref<50000x128xf32, #tpu.memory_space<hbm>> -> memref<50000x128xf32, #tpu.memory_space<hbm>>
    tpu.wait_indirect_dma semaphore(%arg12 : memref<!tpu.dma_semaphore, #tpu.memory_space<semaphore_mem>>) src(%dma_wait3A_67 : memref<50000x128xf32, #tpu.memory_space<hbm>>) dst(%arg8 : memref<128x128xf32, #tpu.memory_space<vmem>>)
    %add3A_68 = arith.constant 256 : i32
    %add3A_69 = arith.addi %mul3A_2, %add3A_68 : i32
    "tpu.region"() ({
      %run_scoped3A = tpu.sem_alloc : memref<!tpu.dma_semaphore, #tpu.memory_space<semaphore_mem>>
      %dma_start3A_209 = arith.constant 0 : i32
      %dma_start3A_210 = tpu.memref_slice %arg4[%add3A_69, %dma_start3A_209] : memref<53248x128xf32, #tpu.memory_space<hbm>> -> memref<128x128xf32, #tpu.memory_space<hbm>>
      %dma_start3A_211 = arith.constant 0 : i32
      %dma_start3A_212 = tpu.memref_slice %arg4[%add3A_69, %dma_start3A_211] : memref<53248x128xf32, #tpu.memory_space<hbm>> -> memref<128x128xf32, #tpu.memory_space<hbm>>
      tpu.enqueue_dma source(%arg8 : memref<128x128xf32, #tpu.memory_space<vmem>>) target(%dma_start3A_212 : memref<128x128xf32, #tpu.memory_space<hbm>>) target_semaphore(%run_scoped3A : memref<!tpu.dma_semaphore, #tpu.memory_space<semaphore_mem>>)
      %dma_wait3A_213 = arith.constant 0 : i32
      %dma_wait3A_214 = tpu.memref_slice %arg4[%add3A_69, %dma_wait3A_213] : memref<53248x128xf32, #tpu.memory_space<hbm>> -> memref<128x128xf32, #tpu.memory_space<hbm>>
      %dma_wait3A_215 = arith.constant 0 : i32
      %dma_wait3A_216 = tpu.memref_slice %arg4[%add3A_69, %dma_wait3A_215] : memref<53248x128xf32, #tpu.memory_space<hbm>> -> memref<128x128xf32, #tpu.memory_space<hbm>>
      tpu.wait_dma2 semaphore(%run_scoped3A : memref<!tpu.dma_semaphore, #tpu.memory_space<semaphore_mem>>) src(%arg8 : memref<128x128xf32, #tpu.memory_space<vmem>>) dst(%dma_wait3A_216 : memref<128x128xf32, #tpu.memory_space<hbm>>)
      tpu.yield
    }) : () -> ()
    %dma_start3A_70 = arith.constant 6 : i32
    %dma_start3A_71 = arith.constant 0 : i32
    %dma_start3A_72 = tpu.memref_slice %arg5[%dma_start3A_70, %dma_start3A_71] : memref<13x128xi32, #tpu.memory_space<vmem>> -> memref<1x128xi32, #tpu.memory_space<vmem>>
    %dma_start3A_73 = tpu.memref_squeeze %dma_start3A_72 : memref<1x128xi32, #tpu.memory_space<vmem>> -> memref<128xi32, #tpu.memory_space<vmem>>
    %dma_start3A_74 = arith.constant 0 : i32
    %dma_start3A_75 = arith.constant 0 : i32
    %dma_start3A_76 = tpu.memref_slice %arg2[%dma_start3A_74, %dma_start3A_75] : memref<50000x128xf32, #tpu.memory_space<hbm>> -> memref<50000x128xf32, #tpu.memory_space<hbm>>
    tpu.enqueue_indirect_dma source(%dma_start3A_76 : memref<50000x128xf32, #tpu.memory_space<hbm>>) target(%arg8 : memref<128x128xf32, #tpu.memory_space<vmem>>) offsets(%dma_start3A_73 : memref<128xi32, #tpu.memory_space<vmem>>) semaphore(%arg12 : memref<!tpu.dma_semaphore, #tpu.memory_space<semaphore_mem>>)
    %dma_wait3A_77 = arith.constant 3 : i32
    %dma_wait3A_78 = arith.constant 0 : i32
    %dma_wait3A_79 = tpu.memref_slice %arg5[%dma_wait3A_77, %dma_wait3A_78] : memref<13x128xi32, #tpu.memory_space<vmem>> -> memref<1x128xi32, #tpu.memory_space<vmem>>
    %dma_wait3A_80 = tpu.memref_squeeze %dma_wait3A_79 : memref<1x128xi32, #tpu.memory_space<vmem>> -> memref<128xi32, #tpu.memory_space<vmem>>
    %dma_wait3A_81 = arith.constant 0 : i32
    %dma_wait3A_82 = arith.constant 0 : i32
    %dma_wait3A_83 = tpu.memref_slice %arg2[%dma_wait3A_81, %dma_wait3A_82] : memref<50000x128xf32, #tpu.memory_space<hbm>> -> memref<50000x128xf32, #tpu.memory_space<hbm>>
    tpu.wait_indirect_dma semaphore(%arg13 : memref<!tpu.dma_semaphore, #tpu.memory_space<semaphore_mem>>) src(%dma_wait3A_83 : memref<50000x128xf32, #tpu.memory_space<hbm>>) dst(%arg9 : memref<128x128xf32, #tpu.memory_space<vmem>>)
    %add3A_84 = arith.constant 384 : i32
    %add3A_85 = arith.addi %mul3A_2, %add3A_84 : i32
    "tpu.region"() ({
      %run_scoped3A = tpu.sem_alloc : memref<!tpu.dma_semaphore, #tpu.memory_space<semaphore_mem>>
      %dma_start3A_209 = arith.constant 0 : i32
      %dma_start3A_210 = tpu.memref_slice %arg4[%add3A_85, %dma_start3A_209] : memref<53248x128xf32, #tpu.memory_space<hbm>> -> memref<128x128xf32, #tpu.memory_space<hbm>>
      %dma_start3A_211 = arith.constant 0 : i32
      %dma_start3A_212 = tpu.memref_slice %arg4[%add3A_85, %dma_start3A_211] : memref<53248x128xf32, #tpu.memory_space<hbm>> -> memref<128x128xf32, #tpu.memory_space<hbm>>
      tpu.enqueue_dma source(%arg9 : memref<128x128xf32, #tpu.memory_space<vmem>>) target(%dma_start3A_212 : memref<128x128xf32, #tpu.memory_space<hbm>>) target_semaphore(%run_scoped3A : memref<!tpu.dma_semaphore, #tpu.memory_space<semaphore_mem>>)
      %dma_wait3A_213 = arith.constant 0 : i32
      %dma_wait3A_214 = tpu.memref_slice %arg4[%add3A_85, %dma_wait3A_213] : memref<53248x128xf32, #tpu.memory_space<hbm>> -> memref<128x128xf32, #tpu.memory_space<hbm>>
      %dma_wait3A_215 = arith.constant 0 : i32
      %dma_wait3A_216 = tpu.memref_slice %arg4[%add3A_85, %dma_wait3A_215] : memref<53248x128xf32, #tpu.memory_space<hbm>> -> memref<128x128xf32, #tpu.memory_space<hbm>>
      tpu.wait_dma2 semaphore(%run_scoped3A : memref<!tpu.dma_semaphore, #tpu.memory_space<semaphore_mem>>) src(%arg9 : memref<128x128xf32, #tpu.memory_space<vmem>>) dst(%dma_wait3A_216 : memref<128x128xf32, #tpu.memory_space<hbm>>)
      tpu.yield
    }) : () -> ()
    %dma_start3A_86 = arith.constant 7 : i32
    %dma_start3A_87 = arith.constant 0 : i32
    %dma_start3A_88 = tpu.memref_slice %arg5[%dma_start3A_86, %dma_start3A_87] : memref<13x128xi32, #tpu.memory_space<vmem>> -> memref<1x128xi32, #tpu.memory_space<vmem>>
    %dma_start3A_89 = tpu.memref_squeeze %dma_start3A_88 : memref<1x128xi32, #tpu.memory_space<vmem>> -> memref<128xi32, #tpu.memory_space<vmem>>
    %dma_start3A_90 = arith.constant 0 : i32
    %dma_start3A_91 = arith.constant 0 : i32
    %dma_start3A_92 = tpu.memref_slice %arg2[%dma_start3A_90, %dma_start3A_91] : memref<50000x128xf32, #tpu.memory_space<hbm>> -> memref<50000x128xf32, #tpu.memory_space<hbm>>
    tpu.enqueue_indirect_dma source(%dma_start3A_92 : memref<50000x128xf32, #tpu.memory_space<hbm>>) target(%arg9 : memref<128x128xf32, #tpu.memory_space<vmem>>) offsets(%dma_start3A_89 : memref<128xi32, #tpu.memory_space<vmem>>) semaphore(%arg13 : memref<!tpu.dma_semaphore, #tpu.memory_space<semaphore_mem>>)
    %dma_wait3A_93 = arith.constant 4 : i32
    %dma_wait3A_94 = arith.constant 0 : i32
    %dma_wait3A_95 = tpu.memref_slice %arg5[%dma_wait3A_93, %dma_wait3A_94] : memref<13x128xi32, #tpu.memory_space<vmem>> -> memref<1x128xi32, #tpu.memory_space<vmem>>
    %dma_wait3A_96 = tpu.memref_squeeze %dma_wait3A_95 : memref<1x128xi32, #tpu.memory_space<vmem>> -> memref<128xi32, #tpu.memory_space<vmem>>
    %dma_wait3A_97 = arith.constant 0 : i32
    %dma_wait3A_98 = arith.constant 0 : i32
    %dma_wait3A_99 = tpu.memref_slice %arg2[%dma_wait3A_97, %dma_wait3A_98] : memref<50000x128xf32, #tpu.memory_space<hbm>> -> memref<50000x128xf32, #tpu.memory_space<hbm>>
    tpu.wait_indirect_dma semaphore(%arg10 : memref<!tpu.dma_semaphore, #tpu.memory_space<semaphore_mem>>) src(%dma_wait3A_99 : memref<50000x128xf32, #tpu.memory_space<hbm>>) dst(%arg6 : memref<128x128xf32, #tpu.memory_space<vmem>>)
    %add3A_100 = arith.constant 512 : i32
    %add3A_101 = arith.addi %mul3A_2, %add3A_100 : i32
    "tpu.region"() ({
      %run_scoped3A = tpu.sem_alloc : memref<!tpu.dma_semaphore, #tpu.memory_space<semaphore_mem>>
      %dma_start3A_209 = arith.constant 0 : i32
      %dma_start3A_210 = tpu.memref_slice %arg4[%add3A_101, %dma_start3A_209] : memref<53248x128xf32, #tpu.memory_space<hbm>> -> memref<128x128xf32, #tpu.memory_space<hbm>>
      %dma_start3A_211 = arith.constant 0 : i32
      %dma_start3A_212 = tpu.memref_slice %arg4[%add3A_101, %dma_start3A_211] : memref<53248x128xf32, #tpu.memory_space<hbm>> -> memref<128x128xf32, #tpu.memory_space<hbm>>
      tpu.enqueue_dma source(%arg6 : memref<128x128xf32, #tpu.memory_space<vmem>>) target(%dma_start3A_212 : memref<128x128xf32, #tpu.memory_space<hbm>>) target_semaphore(%run_scoped3A : memref<!tpu.dma_semaphore, #tpu.memory_space<semaphore_mem>>)
      %dma_wait3A_213 = arith.constant 0 : i32
      %dma_wait3A_214 = tpu.memref_slice %arg4[%add3A_101, %dma_wait3A_213] : memref<53248x128xf32, #tpu.memory_space<hbm>> -> memref<128x128xf32, #tpu.memory_space<hbm>>
      %dma_wait3A_215 = arith.constant 0 : i32
      %dma_wait3A_216 = tpu.memref_slice %arg4[%add3A_101, %dma_wait3A_215] : memref<53248x128xf32, #tpu.memory_space<hbm>> -> memref<128x128xf32, #tpu.memory_space<hbm>>
      tpu.wait_dma2 semaphore(%run_scoped3A : memref<!tpu.dma_semaphore, #tpu.memory_space<semaphore_mem>>) src(%arg6 : memref<128x128xf32, #tpu.memory_space<vmem>>) dst(%dma_wait3A_216 : memref<128x128xf32, #tpu.memory_space<hbm>>)
      tpu.yield
    }) : () -> ()
    %dma_start3A_102 = arith.constant 8 : i32
    %dma_start3A_103 = arith.constant 0 : i32
    %dma_start3A_104 = tpu.memref_slice %arg5[%dma_start3A_102, %dma_start3A_103] : memref<13x128xi32, #tpu.memory_space<vmem>> -> memref<1x128xi32, #tpu.memory_space<vmem>>
    %dma_start3A_105 = tpu.memref_squeeze %dma_start3A_104 : memref<1x128xi32, #tpu.memory_space<vmem>> -> memref<128xi32, #tpu.memory_space<vmem>>
    %dma_start3A_106 = arith.constant 0 : i32
    %dma_start3A_107 = arith.constant 0 : i32
    %dma_start3A_108 = tpu.memref_slice %arg2[%dma_start3A_106, %dma_start3A_107] : memref<50000x128xf32, #tpu.memory_space<hbm>> -> memref<50000x128xf32, #tpu.memory_space<hbm>>
    tpu.enqueue_indirect_dma source(%dma_start3A_108 : memref<50000x128xf32, #tpu.memory_space<hbm>>) target(%arg6 : memref<128x128xf32, #tpu.memory_space<vmem>>) offsets(%dma_start3A_105 : memref<128xi32, #tpu.memory_space<vmem>>) semaphore(%arg10 : memref<!tpu.dma_semaphore, #tpu.memory_space<semaphore_mem>>)
    %dma_wait3A_109 = arith.constant 5 : i32
    %dma_wait3A_110 = arith.constant 0 : i32
    %dma_wait3A_111 = tpu.memref_slice %arg5[%dma_wait3A_109, %dma_wait3A_110] : memref<13x128xi32, #tpu.memory_space<vmem>> -> memref<1x128xi32, #tpu.memory_space<vmem>>
    %dma_wait3A_112 = tpu.memref_squeeze %dma_wait3A_111 : memref<1x128xi32, #tpu.memory_space<vmem>> -> memref<128xi32, #tpu.memory_space<vmem>>
    %dma_wait3A_113 = arith.constant 0 : i32
    %dma_wait3A_114 = arith.constant 0 : i32
    %dma_wait3A_115 = tpu.memref_slice %arg2[%dma_wait3A_113, %dma_wait3A_114] : memref<50000x128xf32, #tpu.memory_space<hbm>> -> memref<50000x128xf32, #tpu.memory_space<hbm>>
    tpu.wait_indirect_dma semaphore(%arg11 : memref<!tpu.dma_semaphore, #tpu.memory_space<semaphore_mem>>) src(%dma_wait3A_115 : memref<50000x128xf32, #tpu.memory_space<hbm>>) dst(%arg7 : memref<128x128xf32, #tpu.memory_space<vmem>>)
    %add3A_116 = arith.constant 640 : i32
    %add3A_117 = arith.addi %mul3A_2, %add3A_116 : i32
    "tpu.region"() ({
      %run_scoped3A = tpu.sem_alloc : memref<!tpu.dma_semaphore, #tpu.memory_space<semaphore_mem>>
      %dma_start3A_209 = arith.constant 0 : i32
      %dma_start3A_210 = tpu.memref_slice %arg4[%add3A_117, %dma_start3A_209] : memref<53248x128xf32, #tpu.memory_space<hbm>> -> memref<128x128xf32, #tpu.memory_space<hbm>>
      %dma_start3A_211 = arith.constant 0 : i32
      %dma_start3A_212 = tpu.memref_slice %arg4[%add3A_117, %dma_start3A_211] : memref<53248x128xf32, #tpu.memory_space<hbm>> -> memref<128x128xf32, #tpu.memory_space<hbm>>
      tpu.enqueue_dma source(%arg7 : memref<128x128xf32, #tpu.memory_space<vmem>>) target(%dma_start3A_212 : memref<128x128xf32, #tpu.memory_space<hbm>>) target_semaphore(%run_scoped3A : memref<!tpu.dma_semaphore, #tpu.memory_space<semaphore_mem>>)
      %dma_wait3A_213 = arith.constant 0 : i32
      %dma_wait3A_214 = tpu.memref_slice %arg4[%add3A_117, %dma_wait3A_213] : memref<53248x128xf32, #tpu.memory_space<hbm>> -> memref<128x128xf32, #tpu.memory_space<hbm>>
      %dma_wait3A_215 = arith.constant 0 : i32
      %dma_wait3A_216 = tpu.memref_slice %arg4[%add3A_117, %dma_wait3A_215] : memref<53248x128xf32, #tpu.memory_space<hbm>> -> memref<128x128xf32, #tpu.memory_space<hbm>>
      tpu.wait_dma2 semaphore(%run_scoped3A : memref<!tpu.dma_semaphore, #tpu.memory_space<semaphore_mem>>) src(%arg7 : memref<128x128xf32, #tpu.memory_space<vmem>>) dst(%dma_wait3A_216 : memref<128x128xf32, #tpu.memory_space<hbm>>)
      tpu.yield
    }) : () -> ()
    %dma_start3A_118 = arith.constant 9 : i32
    %dma_start3A_119 = arith.constant 0 : i32
    %dma_start3A_120 = tpu.memref_slice %arg5[%dma_start3A_118, %dma_start3A_119] : memref<13x128xi32, #tpu.memory_space<vmem>> -> memref<1x128xi32, #tpu.memory_space<vmem>>
    %dma_start3A_121 = tpu.memref_squeeze %dma_start3A_120 : memref<1x128xi32, #tpu.memory_space<vmem>> -> memref<128xi32, #tpu.memory_space<vmem>>
    %dma_start3A_122 = arith.constant 0 : i32
    %dma_start3A_123 = arith.constant 0 : i32
    %dma_start3A_124 = tpu.memref_slice %arg2[%dma_start3A_122, %dma_start3A_123] : memref<50000x128xf32, #tpu.memory_space<hbm>> -> memref<50000x128xf32, #tpu.memory_space<hbm>>
    tpu.enqueue_indirect_dma source(%dma_start3A_124 : memref<50000x128xf32, #tpu.memory_space<hbm>>) target(%arg7 : memref<128x128xf32, #tpu.memory_space<vmem>>) offsets(%dma_start3A_121 : memref<128xi32, #tpu.memory_space<vmem>>) semaphore(%arg11 : memref<!tpu.dma_semaphore, #tpu.memory_space<semaphore_mem>>)
    %dma_wait3A_125 = arith.constant 6 : i32
    %dma_wait3A_126 = arith.constant 0 : i32
    %dma_wait3A_127 = tpu.memref_slice %arg5[%dma_wait3A_125, %dma_wait3A_126] : memref<13x128xi32, #tpu.memory_space<vmem>> -> memref<1x128xi32, #tpu.memory_space<vmem>>
    %dma_wait3A_128 = tpu.memref_squeeze %dma_wait3A_127 : memref<1x128xi32, #tpu.memory_space<vmem>> -> memref<128xi32, #tpu.memory_space<vmem>>
    %dma_wait3A_129 = arith.constant 0 : i32
    %dma_wait3A_130 = arith.constant 0 : i32
    %dma_wait3A_131 = tpu.memref_slice %arg2[%dma_wait3A_129, %dma_wait3A_130] : memref<50000x128xf32, #tpu.memory_space<hbm>> -> memref<50000x128xf32, #tpu.memory_space<hbm>>
    tpu.wait_indirect_dma semaphore(%arg12 : memref<!tpu.dma_semaphore, #tpu.memory_space<semaphore_mem>>) src(%dma_wait3A_131 : memref<50000x128xf32, #tpu.memory_space<hbm>>) dst(%arg8 : memref<128x128xf32, #tpu.memory_space<vmem>>)
    %add3A_132 = arith.constant 768 : i32
    %add3A_133 = arith.addi %mul3A_2, %add3A_132 : i32
    "tpu.region"() ({
      %run_scoped3A = tpu.sem_alloc : memref<!tpu.dma_semaphore, #tpu.memory_space<semaphore_mem>>
      %dma_start3A_209 = arith.constant 0 : i32
      %dma_start3A_210 = tpu.memref_slice %arg4[%add3A_133, %dma_start3A_209] : memref<53248x128xf32, #tpu.memory_space<hbm>> -> memref<128x128xf32, #tpu.memory_space<hbm>>
      %dma_start3A_211 = arith.constant 0 : i32
      %dma_start3A_212 = tpu.memref_slice %arg4[%add3A_133, %dma_start3A_211] : memref<53248x128xf32, #tpu.memory_space<hbm>> -> memref<128x128xf32, #tpu.memory_space<hbm>>
      tpu.enqueue_dma source(%arg8 : memref<128x128xf32, #tpu.memory_space<vmem>>) target(%dma_start3A_212 : memref<128x128xf32, #tpu.memory_space<hbm>>) target_semaphore(%run_scoped3A : memref<!tpu.dma_semaphore, #tpu.memory_space<semaphore_mem>>)
      %dma_wait3A_213 = arith.constant 0 : i32
      %dma_wait3A_214 = tpu.memref_slice %arg4[%add3A_133, %dma_wait3A_213] : memref<53248x128xf32, #tpu.memory_space<hbm>> -> memref<128x128xf32, #tpu.memory_space<hbm>>
      %dma_wait3A_215 = arith.constant 0 : i32
      %dma_wait3A_216 = tpu.memref_slice %arg4[%add3A_133, %dma_wait3A_215] : memref<53248x128xf32, #tpu.memory_space<hbm>> -> memref<128x128xf32, #tpu.memory_space<hbm>>
      tpu.wait_dma2 semaphore(%run_scoped3A : memref<!tpu.dma_semaphore, #tpu.memory_space<semaphore_mem>>) src(%arg8 : memref<128x128xf32, #tpu.memory_space<vmem>>) dst(%dma_wait3A_216 : memref<128x128xf32, #tpu.memory_space<hbm>>)
      tpu.yield
    }) : () -> ()
    %dma_start3A_134 = arith.constant 10 : i32
    %dma_start3A_135 = arith.constant 0 : i32
    %dma_start3A_136 = tpu.memref_slice %arg5[%dma_start3A_134, %dma_start3A_135] : memref<13x128xi32, #tpu.memory_space<vmem>> -> memref<1x128xi32, #tpu.memory_space<vmem>>
    %dma_start3A_137 = tpu.memref_squeeze %dma_start3A_136 : memref<1x128xi32, #tpu.memory_space<vmem>> -> memref<128xi32, #tpu.memory_space<vmem>>
    %dma_start3A_138 = arith.constant 0 : i32
    %dma_start3A_139 = arith.constant 0 : i32
    %dma_start3A_140 = tpu.memref_slice %arg2[%dma_start3A_138, %dma_start3A_139] : memref<50000x128xf32, #tpu.memory_space<hbm>> -> memref<50000x128xf32, #tpu.memory_space<hbm>>
    tpu.enqueue_indirect_dma source(%dma_start3A_140 : memref<50000x128xf32, #tpu.memory_space<hbm>>) target(%arg8 : memref<128x128xf32, #tpu.memory_space<vmem>>) offsets(%dma_start3A_137 : memref<128xi32, #tpu.memory_space<vmem>>) semaphore(%arg12 : memref<!tpu.dma_semaphore, #tpu.memory_space<semaphore_mem>>)
    %dma_wait3A_141 = arith.constant 7 : i32
    %dma_wait3A_142 = arith.constant 0 : i32
    %dma_wait3A_143 = tpu.memref_slice %arg5[%dma_wait3A_141, %dma_wait3A_142] : memref<13x128xi32, #tpu.memory_space<vmem>> -> memref<1x128xi32, #tpu.memory_space<vmem>>
    %dma_wait3A_144 = tpu.memref_squeeze %dma_wait3A_143 : memref<1x128xi32, #tpu.memory_space<vmem>> -> memref<128xi32, #tpu.memory_space<vmem>>
    %dma_wait3A_145 = arith.constant 0 : i32
    %dma_wait3A_146 = arith.constant 0 : i32
    %dma_wait3A_147 = tpu.memref_slice %arg2[%dma_wait3A_145, %dma_wait3A_146] : memref<50000x128xf32, #tpu.memory_space<hbm>> -> memref<50000x128xf32, #tpu.memory_space<hbm>>
    tpu.wait_indirect_dma semaphore(%arg13 : memref<!tpu.dma_semaphore, #tpu.memory_space<semaphore_mem>>) src(%dma_wait3A_147 : memref<50000x128xf32, #tpu.memory_space<hbm>>) dst(%arg9 : memref<128x128xf32, #tpu.memory_space<vmem>>)
    %add3A_148 = arith.constant 896 : i32
    %add3A_149 = arith.addi %mul3A_2, %add3A_148 : i32
    "tpu.region"() ({
      %run_scoped3A = tpu.sem_alloc : memref<!tpu.dma_semaphore, #tpu.memory_space<semaphore_mem>>
      %dma_start3A_209 = arith.constant 0 : i32
      %dma_start3A_210 = tpu.memref_slice %arg4[%add3A_149, %dma_start3A_209] : memref<53248x128xf32, #tpu.memory_space<hbm>> -> memref<128x128xf32, #tpu.memory_space<hbm>>
      %dma_start3A_211 = arith.constant 0 : i32
      %dma_start3A_212 = tpu.memref_slice %arg4[%add3A_149, %dma_start3A_211] : memref<53248x128xf32, #tpu.memory_space<hbm>> -> memref<128x128xf32, #tpu.memory_space<hbm>>
      tpu.enqueue_dma source(%arg9 : memref<128x128xf32, #tpu.memory_space<vmem>>) target(%dma_start3A_212 : memref<128x128xf32, #tpu.memory_space<hbm>>) target_semaphore(%run_scoped3A : memref<!tpu.dma_semaphore, #tpu.memory_space<semaphore_mem>>)
      %dma_wait3A_213 = arith.constant 0 : i32
      %dma_wait3A_214 = tpu.memref_slice %arg4[%add3A_149, %dma_wait3A_213] : memref<53248x128xf32, #tpu.memory_space<hbm>> -> memref<128x128xf32, #tpu.memory_space<hbm>>
      %dma_wait3A_215 = arith.constant 0 : i32
      %dma_wait3A_216 = tpu.memref_slice %arg4[%add3A_149, %dma_wait3A_215] : memref<53248x128xf32, #tpu.memory_space<hbm>> -> memref<128x128xf32, #tpu.memory_space<hbm>>
      tpu.wait_dma2 semaphore(%run_scoped3A : memref<!tpu.dma_semaphore, #tpu.memory_space<semaphore_mem>>) src(%arg9 : memref<128x128xf32, #tpu.memory_space<vmem>>) dst(%dma_wait3A_216 : memref<128x128xf32, #tpu.memory_space<hbm>>)
      tpu.yield
    }) : () -> ()
    %dma_start3A_150 = arith.constant 11 : i32
    %dma_start3A_151 = arith.constant 0 : i32
    %dma_start3A_152 = tpu.memref_slice %arg5[%dma_start3A_150, %dma_start3A_151] : memref<13x128xi32, #tpu.memory_space<vmem>> -> memref<1x128xi32, #tpu.memory_space<vmem>>
    %dma_start3A_153 = tpu.memref_squeeze %dma_start3A_152 : memref<1x128xi32, #tpu.memory_space<vmem>> -> memref<128xi32, #tpu.memory_space<vmem>>
    %dma_start3A_154 = arith.constant 0 : i32
    %dma_start3A_155 = arith.constant 0 : i32
    %dma_start3A_156 = tpu.memref_slice %arg2[%dma_start3A_154, %dma_start3A_155] : memref<50000x128xf32, #tpu.memory_space<hbm>> -> memref<50000x128xf32, #tpu.memory_space<hbm>>
    tpu.enqueue_indirect_dma source(%dma_start3A_156 : memref<50000x128xf32, #tpu.memory_space<hbm>>) target(%arg9 : memref<128x128xf32, #tpu.memory_space<vmem>>) offsets(%dma_start3A_153 : memref<128xi32, #tpu.memory_space<vmem>>) semaphore(%arg13 : memref<!tpu.dma_semaphore, #tpu.memory_space<semaphore_mem>>)
    %dma_wait3A_157 = arith.constant 8 : i32
    %dma_wait3A_158 = arith.constant 0 : i32
    %dma_wait3A_159 = tpu.memref_slice %arg5[%dma_wait3A_157, %dma_wait3A_158] : memref<13x128xi32, #tpu.memory_space<vmem>> -> memref<1x128xi32, #tpu.memory_space<vmem>>
    %dma_wait3A_160 = tpu.memref_squeeze %dma_wait3A_159 : memref<1x128xi32, #tpu.memory_space<vmem>> -> memref<128xi32, #tpu.memory_space<vmem>>
    %dma_wait3A_161 = arith.constant 0 : i32
    %dma_wait3A_162 = arith.constant 0 : i32
    %dma_wait3A_163 = tpu.memref_slice %arg2[%dma_wait3A_161, %dma_wait3A_162] : memref<50000x128xf32, #tpu.memory_space<hbm>> -> memref<50000x128xf32, #tpu.memory_space<hbm>>
    tpu.wait_indirect_dma semaphore(%arg10 : memref<!tpu.dma_semaphore, #tpu.memory_space<semaphore_mem>>) src(%dma_wait3A_163 : memref<50000x128xf32, #tpu.memory_space<hbm>>) dst(%arg6 : memref<128x128xf32, #tpu.memory_space<vmem>>)
    %add3A_164 = arith.constant 1024 : i32
    %add3A_165 = arith.addi %mul3A_2, %add3A_164 : i32
    "tpu.region"() ({
      %run_scoped3A = tpu.sem_alloc : memref<!tpu.dma_semaphore, #tpu.memory_space<semaphore_mem>>
      %dma_start3A_209 = arith.constant 0 : i32
      %dma_start3A_210 = tpu.memref_slice %arg4[%add3A_165, %dma_start3A_209] : memref<53248x128xf32, #tpu.memory_space<hbm>> -> memref<128x128xf32, #tpu.memory_space<hbm>>
      %dma_start3A_211 = arith.constant 0 : i32
      %dma_start3A_212 = tpu.memref_slice %arg4[%add3A_165, %dma_start3A_211] : memref<53248x128xf32, #tpu.memory_space<hbm>> -> memref<128x128xf32, #tpu.memory_space<hbm>>
      tpu.enqueue_dma source(%arg6 : memref<128x128xf32, #tpu.memory_space<vmem>>) target(%dma_start3A_212 : memref<128x128xf32, #tpu.memory_space<hbm>>) target_semaphore(%run_scoped3A : memref<!tpu.dma_semaphore, #tpu.memory_space<semaphore_mem>>)
      %dma_wait3A_213 = arith.constant 0 : i32
      %dma_wait3A_214 = tpu.memref_slice %arg4[%add3A_165, %dma_wait3A_213] : memref<53248x128xf32, #tpu.memory_space<hbm>> -> memref<128x128xf32, #tpu.memory_space<hbm>>
      %dma_wait3A_215 = arith.constant 0 : i32
      %dma_wait3A_216 = tpu.memref_slice %arg4[%add3A_165, %dma_wait3A_215] : memref<53248x128xf32, #tpu.memory_space<hbm>> -> memref<128x128xf32, #tpu.memory_space<hbm>>
      tpu.wait_dma2 semaphore(%run_scoped3A : memref<!tpu.dma_semaphore, #tpu.memory_space<semaphore_mem>>) src(%arg6 : memref<128x128xf32, #tpu.memory_space<vmem>>) dst(%dma_wait3A_216 : memref<128x128xf32, #tpu.memory_space<hbm>>)
      tpu.yield
    }) : () -> ()
    %dma_start3A_166 = arith.constant 12 : i32
    %dma_start3A_167 = arith.constant 0 : i32
    %dma_start3A_168 = tpu.memref_slice %arg5[%dma_start3A_166, %dma_start3A_167] : memref<13x128xi32, #tpu.memory_space<vmem>> -> memref<1x128xi32, #tpu.memory_space<vmem>>
    %dma_start3A_169 = tpu.memref_squeeze %dma_start3A_168 : memref<1x128xi32, #tpu.memory_space<vmem>> -> memref<128xi32, #tpu.memory_space<vmem>>
    %dma_start3A_170 = arith.constant 0 : i32
    %dma_start3A_171 = arith.constant 0 : i32
    %dma_start3A_172 = tpu.memref_slice %arg2[%dma_start3A_170, %dma_start3A_171] : memref<50000x128xf32, #tpu.memory_space<hbm>> -> memref<50000x128xf32, #tpu.memory_space<hbm>>
    tpu.enqueue_indirect_dma source(%dma_start3A_172 : memref<50000x128xf32, #tpu.memory_space<hbm>>) target(%arg6 : memref<128x128xf32, #tpu.memory_space<vmem>>) offsets(%dma_start3A_169 : memref<128xi32, #tpu.memory_space<vmem>>) semaphore(%arg10 : memref<!tpu.dma_semaphore, #tpu.memory_space<semaphore_mem>>)
    %dma_wait3A_173 = arith.constant 9 : i32
    %dma_wait3A_174 = arith.constant 0 : i32
    %dma_wait3A_175 = tpu.memref_slice %arg5[%dma_wait3A_173, %dma_wait3A_174] : memref<13x128xi32, #tpu.memory_space<vmem>> -> memref<1x128xi32, #tpu.memory_space<vmem>>
    %dma_wait3A_176 = tpu.memref_squeeze %dma_wait3A_175 : memref<1x128xi32, #tpu.memory_space<vmem>> -> memref<128xi32, #tpu.memory_space<vmem>>
    %dma_wait3A_177 = arith.constant 0 : i32
    %dma_wait3A_178 = arith.constant 0 : i32
    %dma_wait3A_179 = tpu.memref_slice %arg2[%dma_wait3A_177, %dma_wait3A_178] : memref<50000x128xf32, #tpu.memory_space<hbm>> -> memref<50000x128xf32, #tpu.memory_space<hbm>>
    tpu.wait_indirect_dma semaphore(%arg11 : memref<!tpu.dma_semaphore, #tpu.memory_space<semaphore_mem>>) src(%dma_wait3A_179 : memref<50000x128xf32, #tpu.memory_space<hbm>>) dst(%arg7 : memref<128x128xf32, #tpu.memory_space<vmem>>)
    %add3A_180 = arith.constant 1152 : i32
    %add3A_181 = arith.addi %mul3A_2, %add3A_180 : i32
    "tpu.region"() ({
      %run_scoped3A = tpu.sem_alloc : memref<!tpu.dma_semaphore, #tpu.memory_space<semaphore_mem>>
      %dma_start3A_209 = arith.constant 0 : i32
      %dma_start3A_210 = tpu.memref_slice %arg4[%add3A_181, %dma_start3A_209] : memref<53248x128xf32, #tpu.memory_space<hbm>> -> memref<128x128xf32, #tpu.memory_space<hbm>>
      %dma_start3A_211 = arith.constant 0 : i32
      %dma_start3A_212 = tpu.memref_slice %arg4[%add3A_181, %dma_start3A_211] : memref<53248x128xf32, #tpu.memory_space<hbm>> -> memref<128x128xf32, #tpu.memory_space<hbm>>
      tpu.enqueue_dma source(%arg7 : memref<128x128xf32, #tpu.memory_space<vmem>>) target(%dma_start3A_212 : memref<128x128xf32, #tpu.memory_space<hbm>>) target_semaphore(%run_scoped3A : memref<!tpu.dma_semaphore, #tpu.memory_space<semaphore_mem>>)
      %dma_wait3A_213 = arith.constant 0 : i32
      %dma_wait3A_214 = tpu.memref_slice %arg4[%add3A_181, %dma_wait3A_213] : memref<53248x128xf32, #tpu.memory_space<hbm>> -> memref<128x128xf32, #tpu.memory_space<hbm>>
      %dma_wait3A_215 = arith.constant 0 : i32
      %dma_wait3A_216 = tpu.memref_slice %arg4[%add3A_181, %dma_wait3A_215] : memref<53248x128xf32, #tpu.memory_space<hbm>> -> memref<128x128xf32, #tpu.memory_space<hbm>>
      tpu.wait_dma2 semaphore(%run_scoped3A : memref<!tpu.dma_semaphore, #tpu.memory_space<semaphore_mem>>) src(%arg7 : memref<128x128xf32, #tpu.memory_space<vmem>>) dst(%dma_wait3A_216 : memref<128x128xf32, #tpu.memory_space<hbm>>)
      tpu.yield
    }) : () -> ()
    %dma_wait3A_182 = arith.constant 10 : i32
    %dma_wait3A_183 = arith.constant 0 : i32
    %dma_wait3A_184 = tpu.memref_slice %arg5[%dma_wait3A_182, %dma_wait3A_183] : memref<13x128xi32, #tpu.memory_space<vmem>> -> memref<1x128xi32, #tpu.memory_space<vmem>>
    %dma_wait3A_185 = tpu.memref_squeeze %dma_wait3A_184 : memref<1x128xi32, #tpu.memory_space<vmem>> -> memref<128xi32, #tpu.memory_space<vmem>>
    %dma_wait3A_186 = arith.constant 0 : i32
    %dma_wait3A_187 = arith.constant 0 : i32
    %dma_wait3A_188 = tpu.memref_slice %arg2[%dma_wait3A_186, %dma_wait3A_187] : memref<50000x128xf32, #tpu.memory_space<hbm>> -> memref<50000x128xf32, #tpu.memory_space<hbm>>
    tpu.wait_indirect_dma semaphore(%arg12 : memref<!tpu.dma_semaphore, #tpu.memory_space<semaphore_mem>>) src(%dma_wait3A_188 : memref<50000x128xf32, #tpu.memory_space<hbm>>) dst(%arg8 : memref<128x128xf32, #tpu.memory_space<vmem>>)
    %add3A_189 = arith.constant 1280 : i32
    %add3A_190 = arith.addi %mul3A_2, %add3A_189 : i32
    "tpu.region"() ({
      %run_scoped3A = tpu.sem_alloc : memref<!tpu.dma_semaphore, #tpu.memory_space<semaphore_mem>>
      %dma_start3A_209 = arith.constant 0 : i32
      %dma_start3A_210 = tpu.memref_slice %arg4[%add3A_190, %dma_start3A_209] : memref<53248x128xf32, #tpu.memory_space<hbm>> -> memref<128x128xf32, #tpu.memory_space<hbm>>
      %dma_start3A_211 = arith.constant 0 : i32
      %dma_start3A_212 = tpu.memref_slice %arg4[%add3A_190, %dma_start3A_211] : memref<53248x128xf32, #tpu.memory_space<hbm>> -> memref<128x128xf32, #tpu.memory_space<hbm>>
      tpu.enqueue_dma source(%arg8 : memref<128x128xf32, #tpu.memory_space<vmem>>) target(%dma_start3A_212 : memref<128x128xf32, #tpu.memory_space<hbm>>) target_semaphore(%run_scoped3A : memref<!tpu.dma_semaphore, #tpu.memory_space<semaphore_mem>>)
      %dma_wait3A_213 = arith.constant 0 : i32
      %dma_wait3A_214 = tpu.memref_slice %arg4[%add3A_190, %dma_wait3A_213] : memref<53248x128xf32, #tpu.memory_space<hbm>> -> memref<128x128xf32, #tpu.memory_space<hbm>>
      %dma_wait3A_215 = arith.constant 0 : i32
      %dma_wait3A_216 = tpu.memref_slice %arg4[%add3A_190, %dma_wait3A_215] : memref<53248x128xf32, #tpu.memory_space<hbm>> -> memref<128x128xf32, #tpu.memory_space<hbm>>
      tpu.wait_dma2 semaphore(%run_scoped3A : memref<!tpu.dma_semaphore, #tpu.memory_space<semaphore_mem>>) src(%arg8 : memref<128x128xf32, #tpu.memory_space<vmem>>) dst(%dma_wait3A_216 : memref<128x128xf32, #tpu.memory_space<hbm>>)
      tpu.yield
    }) : () -> ()
    %dma_wait3A_191 = arith.constant 11 : i32
    %dma_wait3A_192 = arith.constant 0 : i32
    %dma_wait3A_193 = tpu.memref_slice %arg5[%dma_wait3A_191, %dma_wait3A_192] : memref<13x128xi32, #tpu.memory_space<vmem>> -> memref<1x128xi32, #tpu.memory_space<vmem>>
    %dma_wait3A_194 = tpu.memref_squeeze %dma_wait3A_193 : memref<1x128xi32, #tpu.memory_space<vmem>> -> memref<128xi32, #tpu.memory_space<vmem>>
    %dma_wait3A_195 = arith.constant 0 : i32
    %dma_wait3A_196 = arith.constant 0 : i32
    %dma_wait3A_197 = tpu.memref_slice %arg2[%dma_wait3A_195, %dma_wait3A_196] : memref<50000x128xf32, #tpu.memory_space<hbm>> -> memref<50000x128xf32, #tpu.memory_space<hbm>>
    tpu.wait_indirect_dma semaphore(%arg13 : memref<!tpu.dma_semaphore, #tpu.memory_space<semaphore_mem>>) src(%dma_wait3A_197 : memref<50000x128xf32, #tpu.memory_space<hbm>>) dst(%arg9 : memref<128x128xf32, #tpu.memory_space<vmem>>)
    %add3A_198 = arith.constant 1408 : i32
    %add3A_199 = arith.addi %mul3A_2, %add3A_198 : i32
    "tpu.region"() ({
      %run_scoped3A = tpu.sem_alloc : memref<!tpu.dma_semaphore, #tpu.memory_space<semaphore_mem>>
      %dma_start3A_209 = arith.constant 0 : i32
      %dma_start3A_210 = tpu.memref_slice %arg4[%add3A_199, %dma_start3A_209] : memref<53248x128xf32, #tpu.memory_space<hbm>> -> memref<128x128xf32, #tpu.memory_space<hbm>>
      %dma_start3A_211 = arith.constant 0 : i32
      %dma_start3A_212 = tpu.memref_slice %arg4[%add3A_199, %dma_start3A_211] : memref<53248x128xf32, #tpu.memory_space<hbm>> -> memref<128x128xf32, #tpu.memory_space<hbm>>
      tpu.enqueue_dma source(%arg9 : memref<128x128xf32, #tpu.memory_space<vmem>>) target(%dma_start3A_212 : memref<128x128xf32, #tpu.memory_space<hbm>>) target_semaphore(%run_scoped3A : memref<!tpu.dma_semaphore, #tpu.memory_space<semaphore_mem>>)
      %dma_wait3A_213 = arith.constant 0 : i32
      %dma_wait3A_214 = tpu.memref_slice %arg4[%add3A_199, %dma_wait3A_213] : memref<53248x128xf32, #tpu.memory_space<hbm>> -> memref<128x128xf32, #tpu.memory_space<hbm>>
      %dma_wait3A_215 = arith.constant 0 : i32
      %dma_wait3A_216 = tpu.memref_slice %arg4[%add3A_199, %dma_wait3A_215] : memref<53248x128xf32, #tpu.memory_space<hbm>> -> memref<128x128xf32, #tpu.memory_space<hbm>>
      tpu.wait_dma2 semaphore(%run_scoped3A : memref<!tpu.dma_semaphore, #tpu.memory_space<semaphore_mem>>) src(%arg9 : memref<128x128xf32, #tpu.memory_space<vmem>>) dst(%dma_wait3A_216 : memref<128x128xf32, #tpu.memory_space<hbm>>)
      tpu.yield
    }) : () -> ()
    %dma_wait3A_200 = arith.constant 12 : i32
    %dma_wait3A_201 = arith.constant 0 : i32
    %dma_wait3A_202 = tpu.memref_slice %arg5[%dma_wait3A_200, %dma_wait3A_201] : memref<13x128xi32, #tpu.memory_space<vmem>> -> memref<1x128xi32, #tpu.memory_space<vmem>>
    %dma_wait3A_203 = tpu.memref_squeeze %dma_wait3A_202 : memref<1x128xi32, #tpu.memory_space<vmem>> -> memref<128xi32, #tpu.memory_space<vmem>>
    %dma_wait3A_204 = arith.constant 0 : i32
    %dma_wait3A_205 = arith.constant 0 : i32
    %dma_wait3A_206 = tpu.memref_slice %arg2[%dma_wait3A_204, %dma_wait3A_205] : memref<50000x128xf32, #tpu.memory_space<hbm>> -> memref<50000x128xf32, #tpu.memory_space<hbm>>
    tpu.wait_indirect_dma semaphore(%arg10 : memref<!tpu.dma_semaphore, #tpu.memory_space<semaphore_mem>>) src(%dma_wait3A_206 : memref<50000x128xf32, #tpu.memory_space<hbm>>) dst(%arg6 : memref<128x128xf32, #tpu.memory_space<vmem>>)
    %add3A_207 = arith.constant 1536 : i32
    %add3A_208 = arith.addi %mul3A_2, %add3A_207 : i32
    "tpu.region"() ({
      %run_scoped3A = tpu.sem_alloc : memref<!tpu.dma_semaphore, #tpu.memory_space<semaphore_mem>>
      %dma_start3A_209 = arith.constant 0 : i32
      %dma_start3A_210 = tpu.memref_slice %arg4[%add3A_208, %dma_start3A_209] : memref<53248x128xf32, #tpu.memory_space<hbm>> -> memref<128x128xf32, #tpu.memory_space<hbm>>
      %dma_start3A_211 = arith.constant 0 : i32
      %dma_start3A_212 = tpu.memref_slice %arg4[%add3A_208, %dma_start3A_211] : memref<53248x128xf32, #tpu.memory_space<hbm>> -> memref<128x128xf32, #tpu.memory_space<hbm>>
      tpu.enqueue_dma source(%arg6 : memref<128x128xf32, #tpu.memory_space<vmem>>) target(%dma_start3A_212 : memref<128x128xf32, #tpu.memory_space<hbm>>) target_semaphore(%run_scoped3A : memref<!tpu.dma_semaphore, #tpu.memory_space<semaphore_mem>>)
      %dma_wait3A_213 = arith.constant 0 : i32
      %dma_wait3A_214 = tpu.memref_slice %arg4[%add3A_208, %dma_wait3A_213] : memref<53248x128xf32, #tpu.memory_space<hbm>> -> memref<128x128xf32, #tpu.memory_space<hbm>>
      %dma_wait3A_215 = arith.constant 0 : i32
      %dma_wait3A_216 = tpu.memref_slice %arg4[%add3A_208, %dma_wait3A_215] : memref<53248x128xf32, #tpu.memory_space<hbm>> -> memref<128x128xf32, #tpu.memory_space<hbm>>
      tpu.wait_dma2 semaphore(%run_scoped3A : memref<!tpu.dma_semaphore, #tpu.memory_space<semaphore_mem>>) src(%arg6 : memref<128x128xf32, #tpu.memory_space<vmem>>) dst(%dma_wait3A_216 : memref<128x128xf32, #tpu.memory_space<hbm>>)
      tpu.yield
    }) : () -> ()
    return
  }
}

module attributes {stable_mosaic.version = 14 : i64} {
  func.func @body(%arg0: i32, %arg1: memref<5000x128xf32, #tpu.memory_space<vmem>>, %arg2: memref<5000x8xbf16, #tpu.memory_space<vmem>>, %arg3: memref<128x1024xbf16, #tpu.memory_space<vmem>>, %arg4: memref<5000x128xf32, #tpu.memory_space<vmem>>, %arg5: memref<5000x128xf32, #tpu.memory_space<vmem>>) attributes {dimension_semantics = [#tpu.dimension_semantics<arbitrary>], iteration_bounds = array<i64: 10>, scalar_prefetch = 0 : i64, scratch_operands = 0 : i64, tpu.core_type = #tpu.core_type<tc>, window_params = [{transform_indices = @transform_0, window_bounds = array<i64: 5000, 128>}, {transform_indices = @transform_1, window_bounds = array<i64: 5000, 8>}, {pipeline_mode = #tpu.pipeline_mode<synchronous>, transform_indices = @transform_2, window_bounds = array<i64: 128, 1024>}, {transform_indices = @transform_3, window_bounds = array<i64: 5000, 128>}, {transform_indices = @transform_4, window_bounds = array<i64: 5000, 128>}]} {
    %get3A = arith.constant 0 : index
    %get3A_0 = arith.constant 0 : index
    %get3A_1 = vector.load %arg1[%get3A, %get3A_0] : memref<5000x128xf32, #tpu.memory_space<vmem>>, vector<5000x128xf32>
    %convert_element_type3A = arith.truncf %get3A_1 : vector<5000x128xf32> to vector<5000x128xbf16>
    %get3A_2 = arith.constant 0 : index
    %get3A_3 = arith.constant 0 : index
    %get3A_4 = vector.load %arg3[%get3A_2, %get3A_3] : memref<128x1024xbf16, #tpu.memory_space<vmem>>, vector<128x1024xbf16>
    %dot_general3A = arith.constant dense<0.000000e+00> : vector<5000x1024xf32>
    %dot_general3A_5 = tpu.matmul %convert_element_type3A, %get3A_4, %dot_general3A {dimension_numbers = #tpu.dot_dimension_numbers<[1], [0], [0], [1], [0, 0, 1, 1], [], []>, transpose_lhs_hint = false} : vector<5000x128xbf16>, vector<128x1024xbf16>, vector<5000x1024xf32> -> vector<5000x1024xf32>
    %convert_element_type3A_6 = arith.truncf %dot_general3A_5 : vector<5000x1024xf32> to vector<5000x1024xbf16>
    %get3A_7 = arith.constant 0 : index
    %get3A_8 = arith.constant 0 : index
    %get3A_9 = vector.load %arg2[%get3A_7, %get3A_8] : memref<5000x8xbf16, #tpu.memory_space<vmem>>, vector<5000x8xbf16>
    %slice3A = vector.extract_strided_slice %convert_element_type3A_6 {offsets = [0, 0], sizes = [5000, 128], strides = [1, 1]} : vector<5000x1024xbf16> to vector<5000x128xbf16>
    %slice3A_10 = vector.extract_strided_slice %get3A_9 {offsets = [0, 0], sizes = [5000, 1], strides = [1, 1]} : vector<5000x8xbf16> to vector<5000x1xbf16>
    %mul3A = vector.broadcast %slice3A_10 : vector<5000x1xbf16> to vector<5000x128xbf16>
    %mul3A_11 = arith.mulf %slice3A, %mul3A : vector<5000x128xbf16>
    %slice3A_12 = vector.extract_strided_slice %convert_element_type3A_6 {offsets = [0, 128], sizes = [5000, 128], strides = [1, 1]} : vector<5000x1024xbf16> to vector<5000x128xbf16>
    %slice3A_13 = vector.extract_strided_slice %get3A_9 {offsets = [0, 1], sizes = [5000, 1], strides = [1, 1]} : vector<5000x8xbf16> to vector<5000x1xbf16>
    %mul3A_14 = vector.broadcast %slice3A_13 : vector<5000x1xbf16> to vector<5000x128xbf16>
    %mul3A_15 = arith.mulf %slice3A_12, %mul3A_14 : vector<5000x128xbf16>
    %add3A = arith.addf %mul3A_11, %mul3A_15 : vector<5000x128xbf16>
    %slice3A_16 = vector.extract_strided_slice %convert_element_type3A_6 {offsets = [0, 256], sizes = [5000, 128], strides = [1, 1]} : vector<5000x1024xbf16> to vector<5000x128xbf16>
    %slice3A_17 = vector.extract_strided_slice %get3A_9 {offsets = [0, 2], sizes = [5000, 1], strides = [1, 1]} : vector<5000x8xbf16> to vector<5000x1xbf16>
    %mul3A_18 = vector.broadcast %slice3A_17 : vector<5000x1xbf16> to vector<5000x128xbf16>
    %mul3A_19 = arith.mulf %slice3A_16, %mul3A_18 : vector<5000x128xbf16>
    %add3A_20 = arith.addf %add3A, %mul3A_19 : vector<5000x128xbf16>
    %slice3A_21 = vector.extract_strided_slice %convert_element_type3A_6 {offsets = [0, 384], sizes = [5000, 128], strides = [1, 1]} : vector<5000x1024xbf16> to vector<5000x128xbf16>
    %slice3A_22 = vector.extract_strided_slice %get3A_9 {offsets = [0, 3], sizes = [5000, 1], strides = [1, 1]} : vector<5000x8xbf16> to vector<5000x1xbf16>
    %mul3A_23 = vector.broadcast %slice3A_22 : vector<5000x1xbf16> to vector<5000x128xbf16>
    %mul3A_24 = arith.mulf %slice3A_21, %mul3A_23 : vector<5000x128xbf16>
    %add3A_25 = arith.addf %add3A_20, %mul3A_24 : vector<5000x128xbf16>
    %slice3A_26 = vector.extract_strided_slice %convert_element_type3A_6 {offsets = [0, 512], sizes = [5000, 128], strides = [1, 1]} : vector<5000x1024xbf16> to vector<5000x128xbf16>
    %slice3A_27 = vector.extract_strided_slice %get3A_9 {offsets = [0, 4], sizes = [5000, 1], strides = [1, 1]} : vector<5000x8xbf16> to vector<5000x1xbf16>
    %mul3A_28 = vector.broadcast %slice3A_27 : vector<5000x1xbf16> to vector<5000x128xbf16>
    %mul3A_29 = arith.mulf %slice3A_26, %mul3A_28 : vector<5000x128xbf16>
    %add3A_30 = arith.addf %add3A_25, %mul3A_29 : vector<5000x128xbf16>
    %slice3A_31 = vector.extract_strided_slice %convert_element_type3A_6 {offsets = [0, 640], sizes = [5000, 128], strides = [1, 1]} : vector<5000x1024xbf16> to vector<5000x128xbf16>
    %slice3A_32 = vector.extract_strided_slice %get3A_9 {offsets = [0, 5], sizes = [5000, 1], strides = [1, 1]} : vector<5000x8xbf16> to vector<5000x1xbf16>
    %mul3A_33 = vector.broadcast %slice3A_32 : vector<5000x1xbf16> to vector<5000x128xbf16>
    %mul3A_34 = arith.mulf %slice3A_31, %mul3A_33 : vector<5000x128xbf16>
    %add3A_35 = arith.addf %add3A_30, %mul3A_34 : vector<5000x128xbf16>
    %slice3A_36 = vector.extract_strided_slice %convert_element_type3A_6 {offsets = [0, 768], sizes = [5000, 128], strides = [1, 1]} : vector<5000x1024xbf16> to vector<5000x128xbf16>
    %slice3A_37 = vector.extract_strided_slice %get3A_9 {offsets = [0, 6], sizes = [5000, 1], strides = [1, 1]} : vector<5000x8xbf16> to vector<5000x1xbf16>
    %mul3A_38 = vector.broadcast %slice3A_37 : vector<5000x1xbf16> to vector<5000x128xbf16>
    %mul3A_39 = arith.mulf %slice3A_36, %mul3A_38 : vector<5000x128xbf16>
    %add3A_40 = arith.addf %add3A_35, %mul3A_39 : vector<5000x128xbf16>
    %slice3A_41 = vector.extract_strided_slice %convert_element_type3A_6 {offsets = [0, 896], sizes = [5000, 128], strides = [1, 1]} : vector<5000x1024xbf16> to vector<5000x128xbf16>
    %slice3A_42 = vector.extract_strided_slice %get3A_9 {offsets = [0, 7], sizes = [5000, 1], strides = [1, 1]} : vector<5000x8xbf16> to vector<5000x1xbf16>
    %mul3A_43 = vector.broadcast %slice3A_42 : vector<5000x1xbf16> to vector<5000x128xbf16>
    %mul3A_44 = arith.mulf %slice3A_41, %mul3A_43 : vector<5000x128xbf16>
    %add3A_45 = arith.addf %add3A_40, %mul3A_44 : vector<5000x128xbf16>
    %convert_element_type3A_46 = arith.extf %add3A_45 : vector<5000x128xbf16> to vector<5000x128xf32>
    %swap3A = arith.constant 0 : index
    %swap3A_47 = arith.constant 0 : index
    %swap3A_48 = vector.load %arg4[%swap3A, %swap3A_47] : memref<5000x128xf32, #tpu.memory_space<vmem>>, vector<5000x128xf32>
    tpu.vector_store %arg4[%swap3A, %swap3A_47], %convert_element_type3A_46 {strides = array<i32>} : memref<5000x128xf32, #tpu.memory_space<vmem>>, vector<5000x128xf32>,
    %swap3A_49 = arith.constant 0 : index
    %swap3A_50 = arith.constant 0 : index
    %swap3A_51 = vector.load %arg5[%swap3A_49, %swap3A_50] : memref<5000x128xf32, #tpu.memory_space<vmem>>, vector<5000x128xf32>
    tpu.vector_store %arg5[%swap3A_49, %swap3A_50], %convert_element_type3A_46 {strides = array<i32>} : memref<5000x128xf32, #tpu.memory_space<vmem>>, vector<5000x128xf32>,
    return
  }
  func.func @transform_0(%arg0: i32) -> (i32, i32) {
    %c0_i32 = arith.constant 0 : i32
    %c0_i32_0 = arith.constant 0 : i32
    return %arg0, %c0_i32 : i32, i32
  }
  func.func @transform_1(%arg0: i32) -> (i32, i32) {
    %c0_i32 = arith.constant 0 : i32
    %c0_i32_0 = arith.constant 0 : i32
    return %arg0, %c0_i32 : i32, i32
  }
  func.func @transform_2(%arg0: i32) -> (i32, i32) {
    %c0_i32 = arith.constant 0 : i32
    %c0_i32_0 = arith.constant 0 : i32
    %c0_i32_1 = arith.constant 0 : i32
    return %c0_i32, %c0_i32_0 : i32, i32
  }
  func.func @transform_3(%arg0: i32) -> (i32, i32) {
    %c0_i32 = arith.constant 0 : i32
    %c0_i32_0 = arith.constant 0 : i32
    return %arg0, %c0_i32 : i32, i32
  }
  func.func @transform_4(%arg0: i32) -> (i32, i32) {
    %c0_i32 = arith.constant 0 : i32
    %c0_i32_0 = arith.constant 0 : i32
    return %arg0, %c0_i32 : i32, i32
  }
}

</mosaic_0001>

<sc_bundles>
// kernel: kernel.4.cloned.1.call-start
scs
__scs_entry_jumppad:
0x0: {  	(pc) =	sbr.rel $0x88, $3  }
0x1: {  	(tag) =	ssettag $0x0;
	lr =	simm.s32 $0x1  }
0x2: {  	[smem:$0x3F9D] =	sst lr;
	_ =	strace $0xD0000000  }
0x3: {  	_ = 	snop  }
0x4: {  	_ = 	snop  }
0x5: {  	_ = 	snop  }
0x6: {  	_ = 	snop  }
0x7: {  	_ = 	snop  }
__scs_overlays_trampoline_lowered:
0x8: {  	[smem:$0x3FAC] =	sst s0  }
0x9: {  	[smem:$0x3FAD] =	sst s1  }
0xa: {  	[smem:$0x3FAE] =	sst s2  }
0xb: {  	[smem:$0x3FAF] =	sst s3  }
0xc: {  	[smem:$0x3FB0] =	sst s4  }
0xd: {  	[smem:$0x3FB1] =	sst s5  }
0xe: {  	[smem:$0x3FB2] =	sst s6  }
0xf: {  	[smem:$0x3FB3] =	sst s7  }
0x10: {  	[smem:$0x3FB4] =	sst s8  }
0x11: {  	[smem:$0x3FB5] =	sst s9;
	s0 =	simm.s32 @!p0 $0x0  }
0x12: {  	s1 =	sld [smem:$0x3F9B];
	s0 =	simm.s32 @p0 $0x1  }
0x13: {  	[smem:$0x3FB6] =	sst s0;
	s0 =	simm.s32 @!p1 $0x0  }
0x14: {  	s2 =	sld [smem:$0x3F9A];
	s0 =	simm.s32 @p1 $0x1  }
0x15: {  	[smem:$0x3FB7] =	sst s0;
	s0 =	simm.s32 @!p2 $0x0  }
0x16: {  	s3 =	sld [smem:$0x3FDB];
	s0 =	simm.s32 @p2 $0x1  }
0x17: {  	s4 =	simm.s32 $0x1BF5;
	[smem:$0x3FB9] =	sst s0  }
0x18: {  	s0 =	sld [smem:$0x3F9C];
	_ =	swait.ge [sflag:s4], $0x0  }
0x19: {  	s7 =	sld [smem:$0x3F9D]  }
0x1a: {  	s8 =	sadd.s32 $0xFFFFE003, lr  }
0x1b: {  	s9 =	sadd.s32 $0xFFFFFEF7, lr;
	s5 =	simm.s32 $0xFFFFFFFF;
	p2 =	slt.u32 s8, $0xFFFFF086  }
0x1c: {  	p1 =	slt.u32 s9, $0xF7A;
	s5 =	simm.s32 @!p2 $0x0  }
0x1d: {  	s5 =	simm.s32 @p1 $0x1;
	p0 =	seq.s32 s7, s2  }
0x1e: {  	s7 =	smul.u32 @!p0 $0xF7A, s2;
	p2 =	seq.s32 @!p0 s5, $0x0  }
0x1f: {  	s9 =	smul.u32 $0xF7A, s1;
	s8 =	simm.s32 @!p0 $0x1BF5;
	p2 =	por !p2, p0  }
0x20: {  	[sflag:s8] =	ssyncset.s32 @!p0 $0xFFFFF086;
	s6 =	sadd.s32 @!p0 s3, s7;
	s7 =	simm.s32 @!p0 $0x108  }
0x21: {  	s3 =	sadd.s32 s3, s9;
	s6 =	sadd.s32 @!p0 $0x88, s6;
	s7 =	simm.s32 @p2 $0x1082  }
0x22: {  	[simem:s7], [sflag:s8] =	dma.local @!p0 [hbm:s6], $0xF7A  }
0x23: {  	s9 =	sor.u32 $0xD0000000, s2;
	s6 =	simm.s32 $0x108;
	_ =	swait.ge @!p0 [sflag:s8], $0x0  }
0x24: {  	s3 =	sadd.s32 $0x88, s3;
	s6 =	simm.s32 @!p1 $0x1082;
	[sflag:s4] =	ssyncset.s32 $0xFFFFF086  }
0x25: {  	[simem:s6], [sflag:s4] =	dma.local [hbm:s3], $0xF7A  }
0x26: {  	[smem:$0x3F9D] =	sst s1;
	(tag) =	ssettag s2;
	_ =	strace s9  }
0x27: {  	s1 =	sld [smem:$0x3FAD]  }
0x28: {  	s2 =	sld [smem:$0x3FAE]  }
0x29: {  	s4 =	sld [smem:$0x3FB0]  }
0x2a: {  	p0 =	seq.s32 s5, $0x0;
	s5 =	sld [smem:$0x3FB1]  }
0x2b: {  	s6 =	sld [smem:$0x3FB2]  }
0x2c: {  	s7 =	sld [smem:$0x3FB3]  }
0x2d: {  	s3 =	simm.s32 $0x108;
	s8 =	sld [smem:$0x3FB4]  }
0x2e: {  	s3 =	simm.s32 @!p0 $0x1082;
	s9 =	sld [smem:$0x3FB5]  }
0x2f: {  	lr =	sadd.s32 s0, s3;
	s0 =	sld [smem:$0x3FAC]  }
0x30: {  	s3 =	sld [smem:$0x3FAF]  }
0x31: {  	[smem:$0x3FB8] =	sst s10  }
0x32: {  	s10 =	sld [smem:$0x3FB6];
	_ =	sdelay $0x3  }
0x33: {  	p0 =	seq.s32 s10, $0x1;
	s10 =	sld [smem:$0x3FB8];
	_ =	sdelay $0x3  }
0x34: {  	[smem:$0x3FB8] =	sst s10  }
0x35: {  	s10 =	sld [smem:$0x3FB7];
	_ =	sdelay $0x3  }
0x36: {  	p1 =	seq.s32 s10, $0x1;
	s10 =	sld [smem:$0x3FB8];
	_ =	sdelay $0x3  }
0x37: {  	[smem:$0x3FB8] =	sst s10  }
0x38: {  	s10 =	sld [smem:$0x3FB9]  }
0x39: {  	_ = 	snop;
	(pc) =	sbr.ind lr, $3  }
0x3a: {  	_ = 	snop  }
0x3b: {  	_ = 	snop  }
0x3c: {  	p2 =	seq.s32 s10, $0x1;
	s10 =	sld [smem:$0x3FB8]  }
0x3d: {  	_ =	shalt  }
0x3e: {  	_ =	shalt  }
0x3f: {  	_ =	shalt  }
0x40: {  	_ =	shalt  }
0x41: {  	_ =	shalt  }
0x42: {  	_ =	shalt  }
0x43: {  	_ =	shalt  }
0x44: {  	_ =	shalt  }
0x45: {  	_ =	shalt  }
0x46: {  	_ =	shalt  }
0x47: {  	_ =	shalt  }
0x48: {  	_ =	shalt  }
0x49: {  	_ =	shalt  }
0x4a: {  	_ =	shalt  }
0x4b: {  	_ =	shalt  }
0x4c: {  	_ =	shalt  }
0x4d: {  	_ =	shalt  }
0x4e: {  	_ =	shalt  }
0x4f: {  	_ =	shalt  }
0x50: {  	_ =	shalt  }
0x51: {  	_ =	shalt  }
0x52: {  	_ =	shalt  }
0x53: {  	_ =	shalt  }
0x54: {  	_ =	shalt  }
0x55: {  	_ =	shalt  }
0x56: {  	_ =	shalt  }
0x57: {  	_ =	shalt  }
0x58: {  	_ =	shalt  }
0x59: {  	_ =	shalt  }
0x5a: {  	_ =	shalt  }
0x5b: {  	_ =	shalt  }
0x5c: {  	_ =	shalt  }
0x5d: {  	_ =	shalt  }
0x5e: {  	_ =	shalt  }
0x5f: {  	_ =	shalt  }
0x60: {  	_ =	shalt  }
0x61: {  	_ =	shalt  }
0x62: {  	_ =	shalt  }
0x63: {  	_ =	shalt  }
0x64: {  	_ =	shalt  }
0x65: {  	_ =	shalt  }
0x66: {  	_ =	shalt  }
0x67: {  	_ =	shalt  }
0x68: {  	_ =	shalt  }
0x69: {  	_ =	shalt  }
0x6a: {  	_ =	shalt  }
0x6b: {  	_ =	shalt  }
0x6c: {  	_ =	shalt  }
0x6d: {  	_ =	shalt  }
0x6e: {  	_ =	shalt  }
0x6f: {  	_ =	shalt  }
0x70: {  	_ =	shalt  }
0x71: {  	_ =	shalt  }
0x72: {  	_ =	shalt  }
0x73: {  	_ =	shalt  }
0x74: {  	_ =	shalt  }
0x75: {  	_ =	shalt  }
0x76: {  	_ =	shalt  }
0x77: {  	_ =	shalt  }
0x78: {  	_ =	shalt  }
0x79: {  	_ =	shalt  }
0x7a: {  	_ =	shalt  }
0x7b: {  	_ =	shalt  }
0x7c: {  	_ =	shalt  }
0x7d: {  	_ =	shalt  }
0x7e: {  	_ =	shalt  }
0x7f: {  	_ =	shalt  }
0x80: {  	_ =	shalt  }
0x81: {  	_ =	shalt  }
0x82: {  	_ =	shalt  }
0x83: {  	_ =	shalt  }
0x84: {  	_ =	shalt  }
0x85: {  	_ =	shalt  }
0x86: {  	_ =	shalt  }
0x87: {  	_ =	shalt  }
.Lfunc_end0:
.L_simem_size_0:
called_computation_lowered:
.L_overlay_start_0:
0x88: {  	s2 =	sld [smem:$0x3FD9]  }
0x89: {  	s3 =	sld [smem:$0x3FFE];
	_ =	sdelay $0x1  }
0x8a: {  	s1 =	srdreg.scid  }
0x8b: {  	s0 =	sand.u32 $0x1, s1  }
0x8c: {  	s14 =	sshll.u32 s0, $0xA;
	s2 =	sadd.s32 s3, s2  }
0x8d: {  	s2 =	sadd.s32 s2, s14  }
0x8e: {  	[smem:$0x3FC4] =	sst s2  }
0x8f: {  	_ = 	snop  }
0x90: {  	s2 =	sld [smem:$0x3FD0];
	_ =	sdelay $0x2  }
0x91: {  	s4 =	simm.s32 $0xA;
	s5 =	simm.s32 $0x10;
	s15 =	sld [smem:$0x3FC9]  }
0x92: {  	[smem:s5], [sflag:s4] =	dma.local [hbm:s2], $0x1  }
0x93: {  	_ =	swait.eq [sflag:s4], $0x1  }
0x94: {  	[sflag:s4] =	ssyncset.done $0x0  }
0x95: {  	[sflag:s4] =	ssyncadd.s32 $0xFFFFFFFF  }
0x96: {  	s16 =	sld [smem:$0x11];
	(tm) =	ssettm $0x1  }
0x97: {  	s17 =	sld [smem:$0x3FFB];
	_ =	sdelay $0x3  }
0x98: {  	_ =	strace s17  }
0x99: {  	s4 =	sld [smem:$0x3FFC];
	_ =	sdelay $0x3  }
0x9a: {  	_ =	strace s4  }
0x9b: {  	s4 =	sld [smem:$0x3FFD];
	_ =	sdelay $0x3  }
0x9c: {  	_ =	strace s4  }
0x9d: {  	_ =	strace $0x8FFFFFFF  }
0x9e: {  	s18 =	sld [smem:$0x3FDB];
	_ =	sdelay $0x1  }
0x9f: {  	s19 =	simm.s32 $_scs_section_size  }
0xa0: {  	s6 =	simm.s32 $_size__tile_overlayer_lowered;
	s7 =	simm.s32 $_tile_overlayer_lowered  }
0xa1: {  	s22 =	simm.s32 $0x1BFF;
	s21 =	sshll.u32 s7, $0x1;
	s4 =	sadd.s32 s19, s18  }
0xa2: {  	s8 =	simm.s32 $0x0;
	s20 =	sshll.u32 s6, $0x1;
	s6 =	sadd.s32 s21, s4  }
0xa3: {  	[timem:s8], [sflag:s22] =	dma.local [hbm:s6], s20  }
0xa4: {  	_ =	swait.ge [sflag:s22], s20  }
0xa5: {  	s5 =	ssub.s32 $0x0, s20;
	[sflag:s22] =	ssyncset.done $0x0  }
0xa6: {  	[sflag:s22] =	ssyncadd.s32 s5;
	_ =	sdelay $0x1  }
0xa7: {  	s23 =	simm.s32 $0x1B8B  }
0xa8: {  	_ =	swait.ge [sflag:s23], $0x1  }
0xa9: {  	[sflag:s23] =	ssyncset.done $0x0  }
0xaa: {  	s25 =	simm.s32 $0x1B8E;
	s24 =	sld [smem:$0x3FFE];
	[sflag:s23] =	ssyncadd.s32 $0xFFFFFFFF  }
0xab: {  	s26 =	simm.s32 $execute0_lowered;
	[smem:$0x3FD2] =	sst s25  }
0xac: {  	s6 =	sshll.u32 s26, $0x1;
	_ =	strace $0x80000046;
	[dreg:$0x1] =	wrdreg $0xFFFFFFFF  }
0xad: {  	s28 =	simm.s32 $_size_execute0_lowered;
	s4 =	sadd.s32 s4, s6;
	[dreg:$0x0] =	wrdreg $0x0  }
0xae: {  	s6 =	sshll.u32 s28, $0x1;
	[dreg:$0x2] =	wrdreg s4  }
0xaf: {  	[dreg:$0x3] =	wrdreg s6  }
0xb0: {  	[dreg:$0x4] =	wrdreg $0xC0  }
0xb1: {  	_ =	task [dreg:s8], $0x5FFFF  }
0xb2: {  	[dreg:$0x1] =	wrdreg $0xFFFFFFFF  }
0xb3: {  	[dreg:$0x0] =	wrdreg $0x60  }
0xb4: {  	[dreg:$0x2] =	wrdreg s15  }
0xb5: {  	[dreg:$0x3] =	wrdreg s16  }
0xb6: {  	[dreg:$0x4] =	wrdreg s24  }
0xb7: {  	[dreg:$0x5] =	wrdreg $0x9  }
0xb8: {  	_ =	task.clear_ibuf [dreg:s8], $0x6FFFF;
	_ =	strace $0x90000046  }
0xb9: {  	s29 =	simm.s32 $0x9;
	_ =	strace $0x80000048  }
0xba: {  	_ =	swait.ge [sflag:s29], $0x1  }
0xbb: {  	[sflag:s29] =	ssyncadd.s32 $0xFFFFFFFF  }
0xbc: {  	_ =	strace $0x90000048  }
0xbd: {  	_ =	sfence  }
0xbe: {  	s30 =	sld [smem:$0x0];
	_ =	sdelay $0x2  }
0xbf: {  	s31 =	sshll.u32 s1, $0xD;
	s1 =	sshrl.u32 s1, $0x2  }
0xc0: {  	s3 =	sand.u32 $0x4000, s31;
	s1 =	sadd.s32 s1, s30  }
0xc1: {  	s0 =	sor.u32 s3, s0;
	s1 =	sshll.u32 s1, $0x11  }
0xc2: {  	s0 =	sor.u32 s1, s0  }
0xc3: {  	s0 =	sadd.s32 $0x8F2B, s0  }
0xc4: {  	[sflag:s0] =	ssyncadd.remote.s32 $0x1  }
0xc5: {  	_ =	sfence.sel $0xFFFF  }
0xc6: {  	[dreg:$0x0] =	wrdreg $0xFFFFFFFF;
	(pc) =	sbr.abs _section_cstart, $3  }
0xc7: {  	[dreg:$0x1] =	wrdreg $0xFFFFFFFF  }
0xc8: {  	_ =	task.clear_ibuf [dreg:s8], $0x2FFFF;
	_ =	strace $0x9FFFFFFF  }
0xc9: {  	(tm) =	ssettm $0x7FFFFFFF  }
tec
execute0_lowered:
.L_overlay_start_1:
0x0: {  	(tag) =	ssettag $0x1  }
0x1: {  	s1 =	srdreg.scid;
	s0 =	stileid.u32  }
0x2: {  	s2 =	rddreg [dreg:$0x0];
	s1 =	sand.u32 $0x1, s1;
	s6 =	sshll.u32 s0, $0x1  }
0x3: {  	s4 =	rddreg [dreg:$0x1];
	s6 =	sor.u32 s1, s6  }
0x4: {  	s5 =	rddreg [dreg:$0x2];
	s3 =	simm.s32 $0x0;
	s7 =	smul.u32 $0x34000, s6  }
0x5: {  	[smem:$0x7FF] =	sst s3;
	s8 =	sshll.u32 s6, $0x8;
	s6 =	smul.u32 $0x6800, s6  }
0x6: {  	s5 =	sadd.s32 $0x800, s5;
	_ =	strace $0x80000047;
	s4 =	sadd.s32 s4, s8  }
0x7: {  	s7 =	sshrl.u32 s7, $0x3;
	[dreg:$0x4] =	wrdreg s4;
	s19 =	sadd.s32 s5, s6  }
0x8: {  	s31 =	sadd.s32 s5, s7;
	[dreg:$0x5] =	wrdreg s19  }
0x9: {  	s25 =	rddreg [dreg:$0x4];
	s20 =	sadd.s32 $0x800, s31  }
0xa: {  	[tilespmem:s3], [sflag:$0x5] =	stream.linear.gather [hbm4b:s25+s3], $0x680, $0x38;
	[tilespmem:$0x10800] =	vst v63  }
0xb: {  	s21 =	sadd.s32 $0x1000, s31;
	[dreg:$0x6] =	wrdreg s20  }
0xc: {  	s22 =	sadd.s32 $0x1800, s31;
	[dreg:$0x7] =	wrdreg s21  }
0xd: {  	s23 =	sadd.s32 $0x2000, s31;
	[dreg:$0x8] =	wrdreg s22  }
0xe: {  	s24 =	sadd.s32 $0x2800, s31;
	[dreg:$0x9] =	wrdreg s23  }
0xf: {  	s26 =	sadd.s32 $0x3000, s31;
	[dreg:$0xa] =	wrdreg s24  }
0x10: {  	s4 =	simm.s32 $0x5;
	[dreg:$0xb] =	wrdreg s26  }
0x11: {  	_ =	swait.ge [sflag:s4], $0x680  }
0x12: {  	[sflag:s4] =	ssyncset.done $0x0  }
0x13: {  	s6 =	simm.s32 $0x800;
	s5 =	simm.s32 $0x80;
	[sflag:s4] =	ssyncadd.s32 $0xFFFFF980  }
0x14: {  	[tilespmem:s6], [sflag:$0x1] =	stream.indirect.gather [hbm4b:s2+s5], $0x80, s3, s5, $0xb8;
	[tilespmem:$0x10800] =	vst v63  }
0x15: {  	s7 =	simm.s32 $0x4800  }
0x16: {  	[tilespmem:s7], [sflag:$0x2] =	stream.indirect.gather [hbm4b:s2+s5], $0x80, s5, s5, $0xb8;
	[tilespmem:$0x10800] =	vst v63  }
0x17: {  	s9 =	simm.s32 $0x8800;
	s8 =	simm.s32 $0x100  }
0x18: {  	[tilespmem:s9], [sflag:$0x3] =	stream.indirect.gather [hbm4b:s2+s5], $0x80, s8, s5, $0xb8;
	[tilespmem:$0x10800] =	vst v63  }
0x19: {  	s10 =	simm.s32 $0x180;
	s11 =	simm.s32 $0xC800;
	s12 =	simm.s32 $0x1  }
0x1a: {  	[tilespmem:s11], [sflag:$0x4] =	stream.indirect.gather [hbm4b:s2+s5], $0x80, s10, s5, $0xb8;
	[tilespmem:$0x10800] =	vst v63  }
0x1b: {  	_ =	swait.ge [sflag:s12], $0x4000  }
0x1c: {  	[sflag:s12] =	ssyncset.done $0x0  }
0x1d: {  	s13 =	rddreg [dreg:$0x5];
	[sflag:s12] =	ssyncadd.s32 $0xFFFFC000  }
0x1e: {  	[hbm4b:s13+s3] =	stream.linear.scatter [tilespmem:s6], [sflag:$0x5], $0x4000, $0x38;
	[tilespmem:$0x10800] =	vst v63  }
0x1f: {  	_ =	swait.ge [sflag:s4], $0x4000  }
0x20: {  	[sflag:s4] =	ssyncset.done $0x0  }
0x21: {  	s14 =	simm.s32 $0x2;
	s13 =	simm.s32 $0x200;
	[sflag:s4] =	ssyncadd.s32 $0xFFFFC000  }
0x22: {  	[tilespmem:s6], [sflag:$0x1] =	stream.indirect.gather [hbm4b:s2+s5], $0x80, s13, s5, $0xb8;
	[tilespmem:$0x10800] =	vst v63  }
0x23: {  	_ =	swait.ge [sflag:s14], $0x4000  }
0x24: {  	[sflag:s14] =	ssyncset.done $0x0  }
0x25: {  	s15 =	rddreg [dreg:$0x6];
	[sflag:s14] =	ssyncadd.s32 $0xFFFFC000  }
0x26: {  	[hbm4b:s15+s3] =	stream.linear.scatter [tilespmem:s7], [sflag:$0x5], $0x4000, $0x38;
	[tilespmem:$0x10800] =	vst v63  }
0x27: {  	_ =	swait.ge [sflag:s4], $0x4000  }
0x28: {  	[sflag:s4] =	ssyncset.done $0x0  }
0x29: {  	s16 =	simm.s32 $0x3;
	s15 =	simm.s32 $0x280;
	[sflag:s4] =	ssyncadd.s32 $0xFFFFC000  }
0x2a: {  	[tilespmem:s7], [sflag:$0x2] =	stream.indirect.gather [hbm4b:s2+s5], $0x80, s15, s5, $0xb8;
	[tilespmem:$0x10800] =	vst v63  }
0x2b: {  	_ =	swait.ge [sflag:s16], $0x4000  }
0x2c: {  	[sflag:s16] =	ssyncset.done $0x0  }
0x2d: {  	s17 =	rddreg [dreg:$0x7];
	[sflag:s16] =	ssyncadd.s32 $0xFFFFC000  }
0x2e: {  	[hbm4b:s17+s3] =	stream.linear.scatter [tilespmem:s9], [sflag:$0x5], $0x4000, $0x38;
	[tilespmem:$0x10800] =	vst v63  }
0x2f: {  	_ =	swait.ge [sflag:s4], $0x4000  }
0x30: {  	[sflag:s4] =	ssyncset.done $0x0  }
0x31: {  	s18 =	simm.s32 $0x4;
	s17 =	simm.s32 $0x300;
	[sflag:s4] =	ssyncadd.s32 $0xFFFFC000  }
0x32: {  	[tilespmem:s9], [sflag:$0x3] =	stream.indirect.gather [hbm4b:s2+s5], $0x80, s17, s5, $0xb8;
	[tilespmem:$0x10800] =	vst v63  }
0x33: {  	_ =	swait.ge [sflag:s18], $0x4000  }
0x34: {  	[sflag:s18] =	ssyncset.done $0x0  }
0x35: {  	s19 =	rddreg [dreg:$0x8];
	[sflag:s18] =	ssyncadd.s32 $0xFFFFC000  }
0x36: {  	[hbm4b:s19+s3] =	stream.linear.scatter [tilespmem:s11], [sflag:$0x5], $0x4000, $0x38;
	[tilespmem:$0x10800] =	vst v63  }
0x37: {  	_ =	swait.ge [sflag:s4], $0x4000  }
0x38: {  	[sflag:s4] =	ssyncset.done $0x0  }
0x39: {  	s19 =	simm.s32 $0x380;
	[sflag:s4] =	ssyncadd.s32 $0xFFFFC000  }
0x3a: {  	[tilespmem:s11], [sflag:$0x4] =	stream.indirect.gather [hbm4b:s2+s5], $0x80, s19, s5, $0xb8;
	[tilespmem:$0x10800] =	vst v63  }
0x3b: {  	_ =	swait.ge [sflag:s12], $0x4000  }
0x3c: {  	[sflag:s12] =	ssyncset.done $0x0  }
0x3d: {  	s20 =	rddreg [dreg:$0x9];
	[sflag:s12] =	ssyncadd.s32 $0xFFFFC000  }
0x3e: {  	[hbm4b:s20+s3] =	stream.linear.scatter [tilespmem:s6], [sflag:$0x5], $0x4000, $0x38;
	[tilespmem:$0x10800] =	vst v63  }
0x3f: {  	_ =	swait.ge [sflag:s4], $0x4000  }
0x40: {  	[sflag:s4] =	ssyncset.done $0x0  }
0x41: {  	s20 =	simm.s32 $0x400;
	[sflag:s4] =	ssyncadd.s32 $0xFFFFC000  }
0x42: {  	[tilespmem:s6], [sflag:$0x1] =	stream.indirect.gather [hbm4b:s2+s5], $0x80, s20, s5, $0xb8;
	[tilespmem:$0x10800] =	vst v63  }
0x43: {  	_ =	swait.ge [sflag:s14], $0x4000  }
0x44: {  	[sflag:s14] =	ssyncset.done $0x0  }
0x45: {  	s21 =	rddreg [dreg:$0xa];
	[sflag:s14] =	ssyncadd.s32 $0xFFFFC000  }
0x46: {  	[hbm4b:s21+s3] =	stream.linear.scatter [tilespmem:s7], [sflag:$0x5], $0x4000, $0x38;
	[tilespmem:$0x10800] =	vst v63  }
0x47: {  	_ =	swait.ge [sflag:s4], $0x4000  }
0x48: {  	[sflag:s4] =	ssyncset.done $0x0  }
0x49: {  	s21 =	simm.s32 $0x480;
	[sflag:s4] =	ssyncadd.s32 $0xFFFFC000  }
0x4a: {  	[tilespmem:s7], [sflag:$0x2] =	stream.indirect.gather [hbm4b:s2+s5], $0x80, s21, s5, $0xb8;
	[tilespmem:$0x10800] =	vst v63  }
0x4b: {  	_ =	swait.ge [sflag:s16], $0x4000  }
0x4c: {  	[sflag:s16] =	ssyncset.done $0x0  }
0x4d: {  	s22 =	rddreg [dreg:$0xb];
	[sflag:s16] =	ssyncadd.s32 $0xFFFFC000  }
0x4e: {  	[hbm4b:s22+s3] =	stream.linear.scatter [tilespmem:s9], [sflag:$0x5], $0x4000, $0x38;
	[tilespmem:$0x10800] =	vst v63  }
0x4f: {  	_ =	swait.ge [sflag:s4], $0x4000  }
0x50: {  	[sflag:s4] =	ssyncset.done $0x0  }
0x51: {  	s22 =	simm.s32 $0x500;
	[sflag:s4] =	ssyncadd.s32 $0xFFFFC000  }
0x52: {  	[tilespmem:s9], [sflag:$0x3] =	stream.indirect.gather [hbm4b:s2+s5], $0x80, s22, s5, $0xb8;
	[tilespmem:$0x10800] =	vst v63  }
0x53: {  	_ =	swait.ge [sflag:s18], $0x4000  }
0x54: {  	[sflag:s18] =	ssyncset.done $0x0  }
0x55: {  	s23 =	sadd.s32 $0x3800, s31;
	[sflag:s18] =	ssyncadd.s32 $0xFFFFC000  }
0x56: {  	[hbm4b:s23+s3] =	stream.linear.scatter [tilespmem:s11], [sflag:$0x5], $0x4000, $0x38;
	[tilespmem:$0x10800] =	vst v63  }
0x57: {  	_ =	swait.ge [sflag:s4], $0x4000  }
0x58: {  	[sflag:s4] =	ssyncset.done $0x0  }
0x59: {  	s24 =	simm.s32 $0x580;
	[sflag:s4] =	ssyncadd.s32 $0xFFFFC000  }
0x5a: {  	[tilespmem:s11], [sflag:$0x4] =	stream.indirect.gather [hbm4b:s2+s5], $0x80, s24, s5, $0xb8;
	[tilespmem:$0x10800] =	vst v63  }
0x5b: {  	_ =	swait.ge [sflag:s12], $0x4000  }
0x5c: {  	[sflag:s12] =	ssyncset.done $0x0  }
0x5d: {  	s25 =	sadd.s32 $0x4000, s31;
	[sflag:s12] =	ssyncadd.s32 $0xFFFFC000  }
0x5e: {  	[hbm4b:s25+s3] =	stream.linear.scatter [tilespmem:s6], [sflag:$0x5], $0x4000, $0x38;
	[tilespmem:$0x10800] =	vst v63  }
0x5f: {  	_ =	swait.ge [sflag:s4], $0x4000  }
0x60: {  	[sflag:s4] =	ssyncset.done $0x0  }
0x61: {  	s26 =	simm.s32 $0x600;
	[sflag:s4] =	ssyncadd.s32 $0xFFFFC000  }
0x62: {  	[tilespmem:s6], [sflag:$0x1] =	stream.indirect.gather [hbm4b:s2+s5], $0x80, s26, s5, $0xb8;
	[tilespmem:$0x10800] =	vst v63  }
0x63: {  	_ =	swait.ge [sflag:s14], $0x4000  }
0x64: {  	[sflag:s14] =	ssyncset.done $0x0  }
0x65: {  	s28 =	sadd.s32 $0x4800, s31;
	[sflag:s14] =	ssyncadd.s32 $0xFFFFC000  }
0x66: {  	[hbm4b:s28+s3] =	stream.linear.scatter [tilespmem:s7], [sflag:$0x5], $0x4000, $0x38;
	[tilespmem:$0x10800] =	vst v63  }
0x67: {  	_ =	swait.ge [sflag:s4], $0x4000  }
0x68: {  	[sflag:s4] =	ssyncset.done $0x0  }
0x69: {  	[sflag:s4] =	ssyncadd.s32 $0xFFFFC000  }
0x6a: {  	_ =	swait.ge [sflag:s16], $0x4000  }
0x6b: {  	[sflag:s16] =	ssyncset.done $0x0  }
0x6c: {  	s29 =	sadd.s32 $0x5000, s31;
	[sflag:s16] =	ssyncadd.s32 $0xFFFFC000  }
0x6d: {  	[hbm4b:s29+s3] =	stream.linear.scatter [tilespmem:s9], [sflag:$0x5], $0x4000, $0x38;
	[tilespmem:$0x10800] =	vst v63  }
0x6e: {  	_ =	swait.ge [sflag:s4], $0x4000  }
0x6f: {  	[sflag:s4] =	ssyncset.done $0x0  }
0x70: {  	[sflag:s4] =	ssyncadd.s32 $0xFFFFC000  }
0x71: {  	_ =	swait.ge [sflag:s18], $0x4000  }
0x72: {  	s1 =	ssub.s32 $0x2, s1;
	[sflag:s18] =	ssyncset.done $0x0  }
0x73: {  	s0 =	sshrl.u32 s1, $0x1;
	s30 =	sadd.s32 $0x5800, s31;
	[sflag:s18] =	ssyncadd.s32 $0xFFFFC000  }
0x74: {  	[hbm4b:s30+s3] =	stream.linear.scatter [tilespmem:s11], [sflag:$0x5], $0x4000, $0x38;
	[tilespmem:$0x10800] =	vst v63  }
0x75: {  	s0 =	ssub.s32 s1, s0;
	_ =	swait.ge [sflag:s4], $0x4000  }
0x76: {  	s0 =	smax.u32 s0, $0x1;
	[sflag:s4] =	ssyncset.done $0x0  }
0x77: {  	p0 =	sne.s32 s0, $0x1;
	[sflag:s4] =	ssyncadd.s32 $0xFFFFC000  }
.Ltmp0:
0x78: {  	_ =	swait.ge [sflag:s12], $0x4000;
	(pc) =	sbr.rel @!p0 .LBB2_2-.Ltmp0, $4  }
0x79: {  	[sflag:s12] =	ssyncset.done $0x0  }
0x7a: {  	s31 =	sadd.s32 $0x6000, s31;
	[sflag:s12] =	ssyncadd.s32 $0xFFFFC000  }
0x7b: {  	[hbm4b:s31+s3] =	stream.linear.scatter [tilespmem:s6], [sflag:$0x5], $0x4000, $0x38;
	[tilespmem:$0x10800] =	vst v63  }
0x7c: {  	s1 =	sadd.s32 $0xFFFFFFFF, s0;
	_ =	swait.ge [sflag:s4], $0x4000  }
.LBB2_1:
0x7d: {  	[sflag:s4] =	ssyncset.done $0x0  }
0x7e: {  	s0 =	rddreg [dreg:$0x4];
	[sflag:s4] =	ssyncadd.s32 $0xFFFFC000  }
0x7f: {  	[tilespmem:s3], [sflag:$0x5] =	stream.linear.gather [hbm4b:s0+s3], $0x680, $0x38;
	[tilespmem:$0x10800] =	vst v63  }
0x80: {  	_ =	swait.ge [sflag:s4], $0x680  }
0x81: {  	[sflag:s4] =	ssyncset.done $0x0  }
0x82: {  	[sflag:s4] =	ssyncadd.s32 $0xFFFFF980  }
0x83: {  	[tilespmem:s6], [sflag:$0x1] =	stream.indirect.gather [hbm4b:s2+s5], $0x80, s3, s5, $0xb8;
	[tilespmem:$0x10800] =	vst v63  }
0x84: {  	_ = 	snop  }
0x85: {  	[tilespmem:s7], [sflag:$0x2] =	stream.indirect.gather [hbm4b:s2+s5], $0x80, s5, s5, $0xb8;
	[tilespmem:$0x10800] =	vst v63  }
0x86: {  	_ = 	snop  }
0x87: {  	[tilespmem:s9], [sflag:$0x3] =	stream.indirect.gather [hbm4b:s2+s5], $0x80, s8, s5, $0xb8;
	[tilespmem:$0x10800] =	vst v63  }
0x88: {  	_ = 	snop  }
0x89: {  	[tilespmem:s11], [sflag:$0x4] =	stream.indirect.gather [hbm4b:s2+s5], $0x80, s10, s5, $0xb8;
	[tilespmem:$0x10800] =	vst v63  }
0x8a: {  	_ =	swait.ge [sflag:s12], $0x4000  }
0x8b: {  	[sflag:s12] =	ssyncset.done $0x0  }
0x8c: {  	s0 =	rddreg [dreg:$0x5];
	[sflag:s12] =	ssyncadd.s32 $0xFFFFC000  }
0x8d: {  	[hbm4b:s0+s3] =	stream.linear.scatter [tilespmem:s6], [sflag:$0x5], $0x4000, $0x38;
	[tilespmem:$0x10800] =	vst v63  }
0x8e: {  	_ =	swait.ge [sflag:s4], $0x4000  }
0x8f: {  	[sflag:s4] =	ssyncset.done $0x0  }
0x90: {  	[sflag:s4] =	ssyncadd.s32 $0xFFFFC000  }
0x91: {  	[tilespmem:s6], [sflag:$0x1] =	stream.indirect.gather [hbm4b:s2+s5], $0x80, s13, s5, $0xb8;
	[tilespmem:$0x10800] =	vst v63  }
0x92: {  	_ =	swait.ge [sflag:s14], $0x4000  }
0x93: {  	[sflag:s14] =	ssyncset.done $0x0  }
0x94: {  	s0 =	rddreg [dreg:$0x6];
	[sflag:s14] =	ssyncadd.s32 $0xFFFFC000  }
0x95: {  	[hbm4b:s0+s3] =	stream.linear.scatter [tilespmem:s7], [sflag:$0x5], $0x4000, $0x38;
	[tilespmem:$0x10800] =	vst v63  }
0x96: {  	_ =	swait.ge [sflag:s4], $0x4000  }
0x97: {  	[sflag:s4] =	ssyncset.done $0x0  }
0x98: {  	[sflag:s4] =	ssyncadd.s32 $0xFFFFC000  }
0x99: {  	[tilespmem:s7], [sflag:$0x2] =	stream.indirect.gather [hbm4b:s2+s5], $0x80, s15, s5, $0xb8;
	[tilespmem:$0x10800] =	vst v63  }
0x9a: {  	_ =	swait.ge [sflag:s16], $0x4000  }
0x9b: {  	[sflag:s16] =	ssyncset.done $0x0  }
0x9c: {  	s0 =	rddreg [dreg:$0x7];
	[sflag:s16] =	ssyncadd.s32 $0xFFFFC000  }
0x9d: {  	[hbm4b:s0+s3] =	stream.linear.scatter [tilespmem:s9], [sflag:$0x5], $0x4000, $0x38;
	[tilespmem:$0x10800] =	vst v63  }
0x9e: {  	_ =	swait.ge [sflag:s4], $0x4000  }
0x9f: {  	[sflag:s4] =	ssyncset.done $0x0  }
0xa0: {  	[sflag:s4] =	ssyncadd.s32 $0xFFFFC000  }
0xa1: {  	[tilespmem:s9], [sflag:$0x3] =	stream.indirect.gather [hbm4b:s2+s5], $0x80, s17, s5, $0xb8;
	[tilespmem:$0x10800] =	vst v63  }
0xa2: {  	_ =	swait.ge [sflag:s18], $0x4000  }
0xa3: {  	[sflag:s18] =	ssyncset.done $0x0  }
0xa4: {  	s0 =	rddreg [dreg:$0x8];
	[sflag:s18] =	ssyncadd.s32 $0xFFFFC000  }
0xa5: {  	[hbm4b:s0+s3] =	stream.linear.scatter [tilespmem:s11], [sflag:$0x5], $0x4000, $0x38;
	[tilespmem:$0x10800] =	vst v63  }
0xa6: {  	_ =	swait.ge [sflag:s4], $0x4000  }
0xa7: {  	[sflag:s4] =	ssyncset.done $0x0  }
0xa8: {  	[sflag:s4] =	ssyncadd.s32 $0xFFFFC000  }
0xa9: {  	[tilespmem:s11], [sflag:$0x4] =	stream.indirect.gather [hbm4b:s2+s5], $0x80, s19, s5, $0xb8;
	[tilespmem:$0x10800] =	vst v63  }
0xaa: {  	_ =	swait.ge [sflag:s12], $0x4000  }
0xab: {  	[sflag:s12] =	ssyncset.done $0x0  }
0xac: {  	s0 =	rddreg [dreg:$0x9];
	[sflag:s12] =	ssyncadd.s32 $0xFFFFC000  }
0xad: {  	[hbm4b:s0+s3] =	stream.linear.scatter [tilespmem:s6], [sflag:$0x5], $0x4000, $0x38;
	[tilespmem:$0x10800] =	vst v63  }
0xae: {  	_ =	swait.ge [sflag:s4], $0x4000  }
0xaf: {  	[sflag:s4] =	ssyncset.done $0x0  }
0xb0: {  	[sflag:s4] =	ssyncadd.s32 $0xFFFFC000  }
0xb1: {  	[tilespmem:s6], [sflag:$0x1] =	stream.indirect.gather [hbm4b:s2+s5], $0x80, s20, s5, $0xb8;
	[tilespmem:$0x10800] =	vst v63  }
0xb2: {  	_ =	swait.ge [sflag:s14], $0x4000  }
0xb3: {  	[sflag:s14] =	ssyncset.done $0x0  }
0xb4: {  	s0 =	rddreg [dreg:$0xa];
	[sflag:s14] =	ssyncadd.s32 $0xFFFFC000  }
0xb5: {  	[hbm4b:s0+s3] =	stream.linear.scatter [tilespmem:s7], [sflag:$0x5], $0x4000, $0x38;
	[tilespmem:$0x10800] =	vst v63  }
0xb6: {  	_ =	swait.ge [sflag:s4], $0x4000  }
0xb7: {  	[sflag:s4] =	ssyncset.done $0x0  }
0xb8: {  	[sflag:s4] =	ssyncadd.s32 $0xFFFFC000  }
0xb9: {  	[tilespmem:s7], [sflag:$0x2] =	stream.indirect.gather [hbm4b:s2+s5], $0x80, s21, s5, $0xb8;
	[tilespmem:$0x10800] =	vst v63  }
0xba: {  	_ =	swait.ge [sflag:s16], $0x4000  }
0xbb: {  	[sflag:s16] =	ssyncset.done $0x0  }
0xbc: {  	s0 =	rddreg [dreg:$0xb];
	[sflag:s16] =	ssyncadd.s32 $0xFFFFC000  }
0xbd: {  	[hbm4b:s0+s3] =	stream.linear.scatter [tilespmem:s9], [sflag:$0x5], $0x4000, $0x38;
	[tilespmem:$0x10800] =	vst v63  }
0xbe: {  	_ =	swait.ge [sflag:s4], $0x4000  }
0xbf: {  	[sflag:s4] =	ssyncset.done $0x0  }
0xc0: {  	[sflag:s4] =	ssyncadd.s32 $0xFFFFC000  }
0xc1: {  	[tilespmem:s9], [sflag:$0x3] =	stream.indirect.gather [hbm4b:s2+s5], $0x80, s22, s5, $0xb8;
	[tilespmem:$0x10800] =	vst v63  }
0xc2: {  	_ =	swait.ge [sflag:s18], $0x4000  }
0xc3: {  	[sflag:s18] =	ssyncset.done $0x0  }
0xc4: {  	[sflag:s18] =	ssyncadd.s32 $0xFFFFC000  }
0xc5: {  	[hbm4b:s23+s3] =	stream.linear.scatter [tilespmem:s11], [sflag:$0x5], $0x4000, $0x38;
	[tilespmem:$0x10800] =	vst v63  }
0xc6: {  	_ =	swait.ge [sflag:s4], $0x4000  }
0xc7: {  	[sflag:s4] =	ssyncset.done $0x0  }
0xc8: {  	[sflag:s4] =	ssyncadd.s32 $0xFFFFC000  }
0xc9: {  	[tilespmem:s11], [sflag:$0x4] =	stream.indirect.gather [hbm4b:s2+s5], $0x80, s24, s5, $0xb8;
	[tilespmem:$0x10800] =	vst v63  }
0xca: {  	_ =	swait.ge [sflag:s12], $0x4000  }
0xcb: {  	[sflag:s12] =	ssyncset.done $0x0  }
0xcc: {  	[sflag:s12] =	ssyncadd.s32 $0xFFFFC000  }
0xcd: {  	[hbm4b:s25+s3] =	stream.linear.scatter [tilespmem:s6], [sflag:$0x5], $0x4000, $0x38;
	[tilespmem:$0x10800] =	vst v63  }
0xce: {  	_ =	swait.ge [sflag:s4], $0x4000  }
0xcf: {  	[sflag:s4] =	ssyncset.done $0x0  }
0xd0: {  	[sflag:s4] =	ssyncadd.s32 $0xFFFFC000  }
0xd1: {  	[tilespmem:s6], [sflag:$0x1] =	stream.indirect.gather [hbm4b:s2+s5], $0x80, s26, s5, $0xb8;
	[tilespmem:$0x10800] =	vst v63  }
0xd2: {  	_ =	swait.ge [sflag:s14], $0x4000  }
0xd3: {  	[sflag:s14] =	ssyncset.done $0x0  }
0xd4: {  	[sflag:s14] =	ssyncadd.s32 $0xFFFFC000  }
0xd5: {  	[hbm4b:s28+s3] =	stream.linear.scatter [tilespmem:s7], [sflag:$0x5], $0x4000, $0x38;
	[tilespmem:$0x10800] =	vst v63  }
0xd6: {  	_ =	swait.ge [sflag:s4], $0x4000  }
0xd7: {  	[sflag:s4] =	ssyncset.done $0x0  }
0xd8: {  	[sflag:s4] =	ssyncadd.s32 $0xFFFFC000  }
0xd9: {  	_ =	swait.ge [sflag:s16], $0x4000  }
0xda: {  	[sflag:s16] =	ssyncset.done $0x0  }
0xdb: {  	[sflag:s16] =	ssyncadd.s32 $0xFFFFC000  }
0xdc: {  	[hbm4b:s29+s3] =	stream.linear.scatter [tilespmem:s9], [sflag:$0x5], $0x4000, $0x38;
	[tilespmem:$0x10800] =	vst v63  }
0xdd: {  	_ =	swait.ge [sflag:s4], $0x4000  }
0xde: {  	[sflag:s4] =	ssyncset.done $0x0  }
0xdf: {  	[sflag:s4] =	ssyncadd.s32 $0xFFFFC000  }
0xe0: {  	_ =	swait.ge [sflag:s18], $0x4000  }
0xe1: {  	[sflag:s18] =	ssyncset.done $0x0  }
0xe2: {  	[sflag:s18] =	ssyncadd.s32 $0xFFFFC000  }
0xe3: {  	[hbm4b:s30+s3] =	stream.linear.scatter [tilespmem:s11], [sflag:$0x5], $0x4000, $0x38;
	[tilespmem:$0x10800] =	vst v63  }
0xe4: {  	_ =	swait.ge [sflag:s4], $0x4000  }
0xe5: {  	[sflag:s4] =	ssyncset.done $0x0  }
0xe6: {  	p0 =	sne.s32 s1, $0x1;
	[sflag:s4] =	ssyncadd.s32 $0xFFFFC000  }
.Ltmp1:
0xe7: {  	_ =	swait.ge [sflag:s12], $0x4000;
	(pc) =	sbr.rel @p0 .LBB2_1-.Ltmp1, $4  }
0xe8: {  	[sflag:s12] =	ssyncset.done $0x0  }
0xe9: {  	[sflag:s12] =	ssyncadd.s32 $0xFFFFC000  }
0xea: {  	[hbm4b:s31+s3] =	stream.linear.scatter [tilespmem:s6], [sflag:$0x5], $0x4000, $0x38;
	[tilespmem:$0x10800] =	vst v63  }
0xeb: {  	s1 =	sadd.s32 $0xFFFFFFFF, s1;
	_ =	swait.ge [sflag:s4], $0x4000  }
.LBB2_2:
0xec: {  	[sflag:s4] =	ssyncset.done $0x0  }
0xed: {  	[sflag:s4] =	ssyncadd.s32 $0xFFFFC000  }
0xee: {  	_ =	sfence.sel $0x180000  }
0xef: {  	[bflag:$0x0] =	sbarrier.arrive $0xFFFF  }
0xf0: {  	_ =	strace $0x90000047  }
0xf1: {  	s0 =	stileid.u32;
	[bflag:$0x2] =	sbarrier.arrive $0xFFFF  }
0xf2: {  	p0 =	sne.s32 s0, $0x0;
	s0 =	rddreg [dreg:$0x3]  }
0xf3: {  	s0 =	sadd.s32 @!p0 $0x100000, s0  }
0xf4: {  	[sflag:s0] =	ssyncadd.tile.s32 @!p0 $0x1;
	_ =	shalt  }
.Lfunc_end2:
_tile_overlayer_lowered:
.L_overlay_start_2:
0xf5: {  	(tag) =	ssettag $0x2  }
0xf6: {  	s0 =	rddreg [dreg:$0x0];
	s2 =	stileid.u32  }
0xf7: {  	s1 =	rddreg [dreg:$0x1];
	p0 =	sne.s32 s2, $0x0  }
0xf8: {  	s3 =	rddreg [dreg:$0x2];
	[bflag:$0x3] =	sbarrier.arrive $0xFFFF;
	s2 =	simm.s32 @!p0 $0x1C05  }
0xf9: {  	[timem:s3], [sflag:s2] =	dma.local @!p0 [hbm:s0], s1  }
0xfa: {  	s0 =	simm.s32 @!p0 $0x5  }
0xfb: {  	_ =	swait.ge @!p0 [sflag:s0], s1  }
0xfc: {  	s1 =	ssub.s32 @!p0 $0x0, s1;
	[sflag:s0] =	ssyncset.done @!p0 $0x0  }
0xfd: {  	[sflag:s0] =	ssyncadd.s32 @!p0 s1  }
0xfe: {  	[bflag:$0x3] =	sbarrier.arrive $0xFFFF  }
0xff: {  	_ =	shalt  }

</sc_bundles>
